<compile_context>
chip_gen: v7x
topology: tpu7x:2x2x1
jax: 0.10.2.dev20260603
libtpu: 0.0.44.dev20260713+nightly
codegen_flags: <defaults>
</compile_context>

<pallas_src>
import functools

import jax
import jax.numpy as jnp
from jax import lax
from jax.experimental import pallas as pl
from jax.experimental.pallas import tpu as pltpu
from jax.experimental.pallas import tpu_sc as plsc

HEADS = 8
ROWW = 80
ADW = 16
CB = 128
NSC = 2
NSUB = 16
NW = NSC * NSUB


def _leaky(x):
    return jnp.maximum(x, 0.2 * x)



def _prep_body(x_ref, W_ref, As_ref, Ad_ref, T_ref, AD_ref, g_ref,
               asm, adm, *, last_step, hpad):
    B = x_ref.shape[0]
    h = jnp.dot(x_ref[...], W_ref[...], preferred_element_type=jnp.float32)
    a_s = jnp.dot(h, As_ref[...], preferred_element_type=jnp.float32)
    a_d = jnp.dot(h, Ad_ref[...], preferred_element_type=jnp.float32)
    z8 = jnp.zeros((B, 8), jnp.float32)
    if hpad:
        hp = jnp.concatenate([h, jnp.zeros((B, hpad), jnp.float32)], axis=1)
    else:
        hp = h
    T_ref[...] = jnp.concatenate([a_s, z8, hp], axis=1)
    AD_ref[...] = jnp.concatenate([a_d, z8], axis=1)
    step = pl.program_id(0)
    bs = jnp.max(a_s, axis=0, keepdims=True)
    bd = jnp.max(a_d, axis=0, keepdims=True)

    @pl.when(step == 0)
    def _():
        asm[...] = bs
        adm[...] = bd

    @pl.when(step != 0)
    def _():
        asm[...] = jnp.maximum(asm[...], bs)
        adm[...] = jnp.maximum(adm[...], bd)

    @pl.when(step == last_step)
    def _():
        g8 = _leaky(asm[...] + adm[...])
        g_ref[...] = jnp.concatenate([g8, jnp.zeros((1, 8), jnp.float32)],
                                     axis=1)


def _prep_tc(x, W, As, Ad, br):
    N, DIN = x.shape
    DOUT = W.shape[1]
    grid = N // br
    return pl.pallas_call(
        functools.partial(_prep_body, last_step=grid - 1, hpad=64 - DOUT),
        grid=(grid,),
        in_specs=[
            pl.BlockSpec((br, DIN), lambda i: (i, 0)),
            pl.BlockSpec((DIN, DOUT), lambda i: (0, 0)),
            pl.BlockSpec((DOUT, HEADS), lambda i: (0, 0)),
            pl.BlockSpec((DOUT, HEADS), lambda i: (0, 0)),
        ],
        out_specs=[
            pl.BlockSpec((br, ROWW), lambda i: (i, 0)),
            pl.BlockSpec((br, ADW), lambda i: (i, 0)),
            pl.BlockSpec((1, 16), lambda i: (0, 0)),
        ],
        out_shape=[
            jax.ShapeDtypeStruct((N, ROWW), jnp.float32),
            jax.ShapeDtypeStruct((N, ADW), jnp.float32),
            jax.ShapeDtypeStruct((1, 16), jnp.float32),
        ],
        scratch_shapes=[
            pltpu.VMEM((1, HEADS), jnp.float32),
            pltpu.VMEM((1, HEADS), jnp.float32),
        ],
    )(x, W, As, Ad)


def _norm_body(acc_ref, R_ref, b_ref, o_ref, *, C):
    den = acc_ref[0, :, 0:HEADS] + acc_ref[1, :, 0:HEADS]
    num = (acc_ref[0, :, 16:16 + HEADS * C] +
           acc_ref[1, :, 16:16 + HEADS * C])
    den_rep = jnp.dot(den, R_ref[...], preferred_element_type=jnp.float32)
    o_ref[...] = num / (den_rep + 1e-16) + b_ref[...]


def _norm_tc(acc, R, b, C, br):
    N = acc.shape[1]
    D = HEADS * C
    return pl.pallas_call(
        functools.partial(_norm_body, C=C),
        grid=(N // br,),
        in_specs=[
            pl.BlockSpec((2, br, ROWW), lambda i: (0, i, 0)),
            pl.BlockSpec((HEADS, D), lambda i: (0, 0)),
            pl.BlockSpec((1, D), lambda i: (0, 0)),
        ],
        out_specs=pl.BlockSpec((br, D), lambda i: (i, 0)),
        out_shape=jax.ShapeDtypeStruct((N, D), jnp.float32),
    )(acc, R, b)


def _mid_body(acc_ref, R_ref, b_ref, W_ref, As_ref, Ad_ref,
              T_ref, AD_ref, g_ref, asm, adm, *, last_step):
    den = acc_ref[0, :, 0:HEADS] + acc_ref[1, :, 0:HEADS]
    num = acc_ref[0, :, 16:80] + acc_ref[1, :, 16:80]
    B = den.shape[0]
    den_rep = jnp.dot(den, R_ref[...], preferred_element_type=jnp.float32)
    t = num / (den_rep + 1e-16) + b_ref[...]
    t = jnp.where(t > 0, t, jnp.exp(jnp.minimum(t, 0.0)) - 1.0)
    h = jnp.dot(t, W_ref[...], preferred_element_type=jnp.float32)
    a_s = jnp.dot(h, As_ref[...], preferred_element_type=jnp.float32)
    a_d = jnp.dot(h, Ad_ref[...], preferred_element_type=jnp.float32)
    z8 = jnp.zeros((B, 8), jnp.float32)
    T_ref[...] = jnp.concatenate([a_s, z8, h, z8], axis=1)
    AD_ref[...] = jnp.concatenate([a_d, z8], axis=1)
    step = pl.program_id(0)
    bs = jnp.max(a_s, axis=0, keepdims=True)
    bd = jnp.max(a_d, axis=0, keepdims=True)

    @pl.when(step == 0)
    def _():
        asm[...] = bs
        adm[...] = bd

    @pl.when(step != 0)
    def _():
        asm[...] = jnp.maximum(asm[...], bs)
        adm[...] = jnp.maximum(adm[...], bd)

    @pl.when(step == last_step)
    def _():
        g8 = _leaky(asm[...] + adm[...])
        g_ref[...] = jnp.concatenate([g8, jnp.zeros((1, 8), jnp.float32)],
                                     axis=1)


def _mid_tc(acc, R, b, W, As, Ad, br):
    N = acc.shape[1]
    D2 = W.shape[1]
    grid = N // br
    return pl.pallas_call(
        functools.partial(_mid_body, last_step=grid - 1),
        grid=(grid,),
        in_specs=[
            pl.BlockSpec((2, br, ROWW), lambda i: (0, i, 0)),
            pl.BlockSpec((HEADS, 64), lambda i: (0, 0)),
            pl.BlockSpec((1, 64), lambda i: (0, 0)),
            pl.BlockSpec((64, D2), lambda i: (0, 0)),
            pl.BlockSpec((D2, HEADS), lambda i: (0, 0)),
            pl.BlockSpec((D2, HEADS), lambda i: (0, 0)),
        ],
        out_specs=[
            pl.BlockSpec((br, ROWW), lambda i: (i, 0)),
            pl.BlockSpec((br, ADW), lambda i: (i, 0)),
            pl.BlockSpec((1, 16), lambda i: (0, 0)),
        ],
        out_shape=[
            jax.ShapeDtypeStruct((N, ROWW), jnp.float32),
            jax.ShapeDtypeStruct((N, ADW), jnp.float32),
            jax.ShapeDtypeStruct((1, 16), jnp.float32),
        ],
        scratch_shapes=[
            pltpu.VMEM((1, HEADS), jnp.float32),
            pltpu.VMEM((1, HEADS), jnp.float32),
        ],
    )(acc, R, b, W, As, Ad)



def _vsel(x, idx):
    dn = lax.GatherDimensionNumbers(
        offset_dims=(), collapsed_slice_dims=(0,), start_index_map=(0,))
    return lax.gather(x, idx.reshape(16, 1), dn, (1,),
                      mode=lax.GatherScatterMode.PROMISE_IN_BOUNDS)


def _edge_sc(T, AD, g, src, dst, *, C):
    N = T.shape[0]
    E = src.shape[0]
    nchunk = E // CB
    rps = (N // NSUB) // 8 * 8
    extra = N - rps * NSUB
    zrows = rps // 3

    mesh = plsc.VectorSubcoreMesh(core_axis_name="c", subcore_axis_name="s")

    @functools.partial(
        pl.kernel,
        out_type=jax.ShapeDtypeStruct((NSC, N, ROWW), jnp.float32),
        mesh=mesh,
        compiler_params=pltpu.CompilerParams(needs_layout_passes=False,
                                             use_tc_tiling_on_sc=False),
        scratch_types=[
            pltpu.VMEM((CB,), jnp.int32),
            pltpu.VMEM((CB,), jnp.int32),
            pltpu.VMEM((CB, ROWW), jnp.float32),
            pltpu.VMEM((CB, ADW), jnp.float32),
            pltpu.VMEM((CB, ROWW), jnp.float32),
            pltpu.VMEM((16,), jnp.float32),
            pltpu.VMEM((zrows, ROWW), jnp.float32),
            pltpu.VMEM_SHARED((N, ROWW), jnp.float32),
            pltpu.SemaphoreType.DMA,
            pltpu.SemaphoreType.DMA,
        ],
    )
    def ek(T_hbm, AD_hbm, g_hbm, src_hbm, dst_hbm, out_hbm,
           sidx, didx, srcrows, dstrows, outrows, gv, zbuf, acc, sem1, sem2):
        c = lax.axis_index("c")
        s = lax.axis_index("s")
        wid = s * NSC + c

        zv = jnp.zeros((16,), jnp.float32)

        @pl.loop(0, zrows)
        def _(r):
            for q in range(ROWW // 16):
                zbuf[r, pl.ds(q * 16, 16)] = zv

        for t in range(rps // zrows):
            pltpu.sync_copy(zbuf, acc.at[pl.ds(s * rps + t * zrows, zrows)])

        @pl.when(s == NSUB - 1)
        def _():
            pltpu.sync_copy(zbuf.at[pl.ds(0, extra)],
                            acc.at[pl.ds(NSUB * rps, extra)])

        pltpu.sync_copy(g_hbm, gv)
        plsc.subcore_barrier()

        g16 = gv[...]
        iota = lax.iota(jnp.int32, 16)
        sel = [(iota + 16 * q) // C for q in range(4)]

        def chunk(k):
            eoff = k * CB
            pltpu.sync_copy(src_hbm.at[pl.ds(eoff, CB)], sidx)
            pltpu.sync_copy(dst_hbm.at[pl.ds(eoff, CB)], didx)
            cp1 = pltpu.async_copy(T_hbm.at[sidx], srcrows, sem1)
            cp2 = pltpu.async_copy(AD_hbm.at[didx], dstrows, sem2)
            cp1.wait()
            cp2.wait()

            @pl.loop(0, CB)
            def _(e):
                a = srcrows[e, pl.ds(0, 16)] + dstrows[e, pl.ds(0, 16)]
                p = jnp.exp(_leaky(a) - g16)
                outrows[e, pl.ds(0, 16)] = p
                for q in range(4):
                    hv = srcrows[e, pl.ds(16 + q * 16, 16)]
                    outrows[e, pl.ds(16 + q * 16, 16)] = hv * _vsel(p, sel[q])

            pltpu.sync_copy(outrows, acc.at[didx], add=True)

        count = (nchunk - wid + NW - 1) // NW

        def body(i, carry):
            chunk(wid + i * NW)
            return carry

        lax.fori_loop(0, count, body, 0)

        plsc.subcore_barrier()
        pltpu.sync_copy(acc.at[pl.ds(s * rps, rps)],
                        out_hbm.at[c, pl.ds(s * rps, rps)])

        @pl.when(s == NSUB - 1)
        def _():
            pltpu.sync_copy(acc.at[pl.ds(NSUB * rps, extra)],
                            out_hbm.at[c, pl.ds(NSUB * rps, extra)])

    return ek(T, AD, g, src, dst)



def _blockdiag(a):
    H, C = a.shape
    f = jnp.arange(H * C)
    return jnp.zeros((H * C, H), jnp.float32).at[f, f // C].set(a.reshape(-1))


def _repmat(C):
    return (jnp.arange(HEADS * C) // C ==
            jnp.arange(HEADS)[:, None]).astype(jnp.float32)


def kernel(x, edge_index, W1, a1_src, a1_dst, b1, W2, a2_src, a2_dst, b2):
    src = edge_index[0].astype(jnp.int32)
    dst = edge_index[1].astype(jnp.int32)
    br = 1000

    T1, AD1, g1 = _prep_tc(x, W1, _blockdiag(a1_src), _blockdiag(a1_dst), br)
    acc1 = _edge_sc(T1, AD1, g1.reshape(16), src, dst, C=8)
    T2, AD2, g2 = _mid_tc(acc1, _repmat(8), b1.reshape(1, -1), W2,
                          _blockdiag(a2_src), _blockdiag(a2_dst), br)
    acc2 = _edge_sc(T2, AD2, g2.reshape(16), src, dst, C=7)
    out = _norm_tc(acc2, _repmat(7), b2.reshape(1, -1), 7, br)
    return out

# --- scband reference (transcript-rebuilt; emitter-appended) ---
"""Pipeline reference for scband-gat-5755256177064 (READ-ONLY COPY).

The authoritative reference and input builder live on the scoring server;
editing this copy changes nothing except your own understanding.
"""

import jax, jax.numpy as jnp
import numpy as np

IN_FEATURES = 128   # stands in for dataset.num_features (Cora=1433; pool d_feat=128)
NUM_CLASSES = 7     # dataset.num_classes (Cora)
HIDDEN = 8
HEADS = 8


def setup_inputs(seed: int = 0) -> dict:
    key = jax.random.key(seed)
    ks = jax.random.split(key, 12)
    N = 10000
    E = 640000
    x = jax.random.normal(ks[0], (N, IN_FEATURES), dtype=jnp.float32)
    edge_index = jax.random.randint(ks[1], (2, E), 0, N, dtype=jnp.int64)
    # conv1 params: in=128 -> heads*hidden = 64 (concat=True)
    s1 = 1.0 / np.sqrt(IN_FEATURES)
    W1 = jax.random.uniform(ks[2], (IN_FEATURES, HEADS * HIDDEN), jnp.float32, -s1, s1)
    a1_src = jax.random.uniform(ks[3], (HEADS, HIDDEN), jnp.float32, -1.0, 1.0) * 0.1
    a1_dst = jax.random.uniform(ks[4], (HEADS, HIDDEN), jnp.float32, -1.0, 1.0) * 0.1
    b1 = jnp.zeros((HEADS * HIDDEN,), jnp.float32)
    # conv2 params: in=64 -> heads*num_classes = 56 (concat=True, PyG default)
    s2 = 1.0 / np.sqrt(HEADS * HIDDEN)
    W2 = jax.random.uniform(ks[5], (HEADS * HIDDEN, HEADS * NUM_CLASSES), jnp.float32, -s2, s2)
    a2_src = jax.random.uniform(ks[6], (HEADS, NUM_CLASSES), jnp.float32, -1.0, 1.0) * 0.1
    a2_dst = jax.random.uniform(ks[7], (HEADS, NUM_CLASSES), jnp.float32, -1.0, 1.0) * 0.1
    b2 = jnp.zeros((HEADS * NUM_CLASSES,), jnp.float32)
    return {"x": x, "edge_index": edge_index,
            "W1": W1, "a1_src": a1_src, "a1_dst": a1_dst, "b1": b1,
            "W2": W2, "a2_src": a2_src, "a2_dst": a2_dst, "b2": b2}


def _gat_conv(x, edge_index, W, a_src, a_dst, bias, heads, out_ch):
    N = x.shape[0]
    src = edge_index[0]
    dst = edge_index[1]
    h = (x @ W).reshape(N, heads, out_ch)                     # [N, H, C]
    alpha_src = jnp.sum(h * a_src[None, :, :], axis=-1)       # [N, H]
    alpha_dst = jnp.sum(h * a_dst[None, :, :], axis=-1)       # [N, H]
    e = alpha_src[src] + alpha_dst[dst]                        # [E, H] (gather)
    e = jax.nn.leaky_relu(e, negative_slope=0.2)
    # softmax over incoming edges per destination node
    m = jax.lax.stop_gradient(jax.ops.segment_max(e, dst, num_segments=N))
    m = jnp.where(jnp.isfinite(m), m, 0.0)
    e = jnp.exp(e - m[dst])
    denom = jax.ops.segment_sum(e, dst, num_segments=N)        # [N, H]
    alpha = e / (denom[dst] + 1e-16)                           # [E, H]
    msg = h[src] * alpha[:, :, None]                           # [E, H, C] (gather)
    out = jax.ops.segment_sum(msg, dst, num_segments=N)        # [N, H, C] (scatter-add)
    return out.reshape(N, heads * out_ch) + bias


def reference(x, edge_index, W1, a1_src, a1_dst, b1, W2, a2_src, a2_dst, b2):
    # eval mode: F.dropout(training=False) is identity
    h = _gat_conv(x, edge_index, W1, a1_src, a1_dst, b1, HEADS, HIDDEN)
    h = jax.nn.elu(h)
    out = _gat_conv(h, edge_index, W2, a2_src, a2_dst, b2, HEADS, NUM_CLASSES)
    return out

if __name__ == "__main__":
    import jax
    _d = setup_inputs()
    print(jax.jit(kernel)(*tuple(_d.values())))

</pallas_src>

<mosaic_0001>
#map = affine_map<(d0, d1) -> (0, 0)>
#map1 = affine_map<(d0, d1) -> (0)>
#map2 = affine_map<(d0, d1) -> (0, 0, 0)>
module attributes {stable_mosaic.version = 14 : i64} {
  func.func @ek(%arg0: i32, %arg1: i32, %arg2: memref<10000x80xf32, #tpu.memory_space<hbm>>, %arg3: memref<10000x16xf32, #tpu.memory_space<hbm>>, %arg4: memref<16xf32, #tpu.memory_space<hbm>>, %arg5: memref<640000xi32, #tpu.memory_space<hbm>>, %arg6: memref<640000xi32, #tpu.memory_space<hbm>>, %arg7: memref<2x10000x80xf32, #tpu.memory_space<hbm>>, %arg8: memref<128xi32, #tpu.memory_space<vmem>>, %arg9: memref<128xi32, #tpu.memory_space<vmem>>, %arg10: memref<128x80xf32, #tpu.memory_space<vmem>>, %arg11: memref<128x16xf32, #tpu.memory_space<vmem>>, %arg12: memref<128x80xf32, #tpu.memory_space<vmem>>, %arg13: memref<16xf32, #tpu.memory_space<vmem>>, %arg14: memref<208x80xf32, #tpu.memory_space<vmem>>, %arg15: memref<10000x80xf32, #tpu.memory_space<vmem_shared>>, %arg16: memref<!tpu.dma_semaphore, #tpu.memory_space<semaphore_mem>>, %arg17: memref<!tpu.dma_semaphore, #tpu.memory_space<semaphore_mem>>) attributes {dimension_semantics = [#tpu.dimension_semantics<core_parallel>, #tpu.dimension_semantics<subcore_parallel>], iteration_bounds = array<i64: 2, 16>, scalar_prefetch = 0 : i64, scratch_operands = 10 : i64, tpu.core_type = #tpu.core_type<sc_vector_subcore>, window_params = [{transform_indices = #map}, {transform_indices = #map}, {transform_indices = #map1}, {transform_indices = #map1}, {transform_indices = #map1}, {transform_indices = #map2}]} {
    %mul3A = arith.constant 2 : i32
    %mul3A_0 = arith.muli %arg1, %mul3A : i32
    %add3A = arith.addi %mul3A_0, %arg0 : i32
    %broadcast_in_dim3A = arith.constant 0.000000e+00 : f32
    %broadcast_in_dim3A_1 = vector.broadcast %broadcast_in_dim3A : f32 to vector<16xf32>
    %scan3A = arith.constant 0 : i32
    %scan3A_2 = arith.constant 208 : i32
    %scan3A_3 = arith.addi %scan3A, %scan3A_2 : i32
    %scan3A_4 = arith.constant 1 : i32
    scf.for %scan3A_198 = %scan3A to %scan3A_3 step %scan3A_4  : i32 {
      %mul3A_199 = arith.constant 1 : i32
      %mul3A_200 = arith.muli %scan3A_198, %mul3A_199 : i32
      %add3A_201 = arith.constant 0 : i32
      %add3A_202 = arith.addi %add3A_201, %mul3A_200 : i32
      %swap3A = arith.index_cast %add3A_202 : i32 to index
      %swap3A_203 = arith.constant 0 : index
      %swap3A_204 = tpu.vector_load %arg14[%swap3A, %swap3A_203] {strides = array<i32>} : memref<208x80xf32, #tpu.memory_space<vmem>>, vector<16xf32>,
      tpu.vector_store %arg14[%swap3A, %swap3A_203], %broadcast_in_dim3A_1 {strides = array<i32>} : memref<208x80xf32, #tpu.memory_space<vmem>>, vector<16xf32>,
      %swap3A_205 = arith.index_cast %add3A_202 : i32 to index
      %swap3A_206 = arith.constant 16 : index
      %swap3A_207 = tpu.vector_load %arg14[%swap3A_205, %swap3A_206] {strides = array<i32>} : memref<208x80xf32, #tpu.memory_space<vmem>>, vector<16xf32>,
      tpu.vector_store %arg14[%swap3A_205, %swap3A_206], %broadcast_in_dim3A_1 {strides = array<i32>} : memref<208x80xf32, #tpu.memory_space<vmem>>, vector<16xf32>,
      %swap3A_208 = arith.index_cast %add3A_202 : i32 to index
      %swap3A_209 = arith.constant 32 : index
      %swap3A_210 = tpu.vector_load %arg14[%swap3A_208, %swap3A_209] {strides = array<i32>} : memref<208x80xf32, #tpu.memory_space<vmem>>, vector<16xf32>,
      tpu.vector_store %arg14[%swap3A_208, %swap3A_209], %broadcast_in_dim3A_1 {strides = array<i32>} : memref<208x80xf32, #tpu.memory_space<vmem>>, vector<16xf32>,
      %swap3A_211 = arith.index_cast %add3A_202 : i32 to index
      %swap3A_212 = arith.constant 48 : index
      %swap3A_213 = tpu.vector_load %arg14[%swap3A_211, %swap3A_212] {strides = array<i32>} : memref<208x80xf32, #tpu.memory_space<vmem>>, vector<16xf32>,
      tpu.vector_store %arg14[%swap3A_211, %swap3A_212], %broadcast_in_dim3A_1 {strides = array<i32>} : memref<208x80xf32, #tpu.memory_space<vmem>>, vector<16xf32>,
      %swap3A_214 = arith.index_cast %add3A_202 : i32 to index
      %swap3A_215 = arith.constant 64 : index
      %swap3A_216 = tpu.vector_load %arg14[%swap3A_214, %swap3A_215] {strides = array<i32>} : memref<208x80xf32, #tpu.memory_space<vmem>>, vector<16xf32>,
      tpu.vector_store %arg14[%swap3A_214, %swap3A_215], %broadcast_in_dim3A_1 {strides = array<i32>} : memref<208x80xf32, #tpu.memory_space<vmem>>, vector<16xf32>,
    }
    %scan3A_5 = arith.constant 208 : i32
    %mul3A_6 = arith.constant 624 : i32
    %mul3A_7 = arith.muli %arg1, %mul3A_6 : i32
    %add3A_8 = arith.constant 0 : i32
    %add3A_9 = arith.addi %mul3A_7, %add3A_8 : i32
    "tpu.region"() ({
      %run_scoped3A = tpu.sem_alloc : memref<!tpu.dma_semaphore, #tpu.memory_space<semaphore_mem>>
      %dma_start3A = arith.constant 0 : i32
      %dma_start3A_198 = tpu.memref_slice %arg15[%add3A_9, %dma_start3A] : memref<10000x80xf32, #tpu.memory_space<vmem_shared>> -> memref<208x80xf32, #tpu.memory_space<vmem_shared>>
      %dma_start3A_199 = arith.constant 0 : i32
      %dma_start3A_200 = tpu.memref_slice %arg15[%add3A_9, %dma_start3A_199] : memref<10000x80xf32, #tpu.memory_space<vmem_shared>> -> memref<208x80xf32, #tpu.memory_space<vmem_shared>>
      tpu.enqueue_dma source(%arg14 : memref<208x80xf32, #tpu.memory_space<vmem>>) target(%dma_start3A_200 : memref<208x80xf32, #tpu.memory_space<vmem_shared>>) target_semaphore(%run_scoped3A : memref<!tpu.dma_semaphore, #tpu.memory_space<semaphore_mem>>)
      %dma_wait3A = arith.constant 0 : i32
      %dma_wait3A_201 = tpu.memref_slice %arg15[%add3A_9, %dma_wait3A] : memref<10000x80xf32, #tpu.memory_space<vmem_shared>> -> memref<208x80xf32, #tpu.memory_space<vmem_shared>>
      %dma_wait3A_202 = arith.constant 0 : i32
      %dma_wait3A_203 = tpu.memref_slice %arg15[%add3A_9, %dma_wait3A_202] : memref<10000x80xf32, #tpu.memory_space<vmem_shared>> -> memref<208x80xf32, #tpu.memory_space<vmem_shared>>
      tpu.wait_dma2 semaphore(%run_scoped3A : memref<!tpu.dma_semaphore, #tpu.memory_space<semaphore_mem>>) src(%arg14 : memref<208x80xf32, #tpu.memory_space<vmem>>) dst(%dma_wait3A_203 : memref<208x80xf32, #tpu.memory_space<vmem_shared>>)
      tpu.yield
    }) : () -> ()
    %mul3A_10 = arith.constant 624 : i32
    %mul3A_11 = arith.muli %arg1, %mul3A_10 : i32
    %add3A_12 = arith.constant 208 : i32
    %add3A_13 = arith.addi %mul3A_11, %add3A_12 : i32
    "tpu.region"() ({
      %run_scoped3A = tpu.sem_alloc : memref<!tpu.dma_semaphore, #tpu.memory_space<semaphore_mem>>
      %dma_start3A = arith.constant 0 : i32
      %dma_start3A_198 = tpu.memref_slice %arg15[%add3A_13, %dma_start3A] : memref<10000x80xf32, #tpu.memory_space<vmem_shared>> -> memref<208x80xf32, #tpu.memory_space<vmem_shared>>
      %dma_start3A_199 = arith.constant 0 : i32
      %dma_start3A_200 = tpu.memref_slice %arg15[%add3A_13, %dma_start3A_199] : memref<10000x80xf32, #tpu.memory_space<vmem_shared>> -> memref<208x80xf32, #tpu.memory_space<vmem_shared>>
      tpu.enqueue_dma source(%arg14 : memref<208x80xf32, #tpu.memory_space<vmem>>) target(%dma_start3A_200 : memref<208x80xf32, #tpu.memory_space<vmem_shared>>) target_semaphore(%run_scoped3A : memref<!tpu.dma_semaphore, #tpu.memory_space<semaphore_mem>>)
      %dma_wait3A = arith.constant 0 : i32
      %dma_wait3A_201 = tpu.memref_slice %arg15[%add3A_13, %dma_wait3A] : memref<10000x80xf32, #tpu.memory_space<vmem_shared>> -> memref<208x80xf32, #tpu.memory_space<vmem_shared>>
      %dma_wait3A_202 = arith.constant 0 : i32
      %dma_wait3A_203 = tpu.memref_slice %arg15[%add3A_13, %dma_wait3A_202] : memref<10000x80xf32, #tpu.memory_space<vmem_shared>> -> memref<208x80xf32, #tpu.memory_space<vmem_shared>>
      tpu.wait_dma2 semaphore(%run_scoped3A : memref<!tpu.dma_semaphore, #tpu.memory_space<semaphore_mem>>) src(%arg14 : memref<208x80xf32, #tpu.memory_space<vmem>>) dst(%dma_wait3A_203 : memref<208x80xf32, #tpu.memory_space<vmem_shared>>)
      tpu.yield
    }) : () -> ()
    %mul3A_14 = arith.constant 624 : i32
    %mul3A_15 = arith.muli %arg1, %mul3A_14 : i32
    %add3A_16 = arith.constant 416 : i32
    %add3A_17 = arith.addi %mul3A_15, %add3A_16 : i32
    "tpu.region"() ({
      %run_scoped3A = tpu.sem_alloc : memref<!tpu.dma_semaphore, #tpu.memory_space<semaphore_mem>>
      %dma_start3A = arith.constant 0 : i32
      %dma_start3A_198 = tpu.memref_slice %arg15[%add3A_17, %dma_start3A] : memref<10000x80xf32, #tpu.memory_space<vmem_shared>> -> memref<208x80xf32, #tpu.memory_space<vmem_shared>>
      %dma_start3A_199 = arith.constant 0 : i32
      %dma_start3A_200 = tpu.memref_slice %arg15[%add3A_17, %dma_start3A_199] : memref<10000x80xf32, #tpu.memory_space<vmem_shared>> -> memref<208x80xf32, #tpu.memory_space<vmem_shared>>
      tpu.enqueue_dma source(%arg14 : memref<208x80xf32, #tpu.memory_space<vmem>>) target(%dma_start3A_200 : memref<208x80xf32, #tpu.memory_space<vmem_shared>>) target_semaphore(%run_scoped3A : memref<!tpu.dma_semaphore, #tpu.memory_space<semaphore_mem>>)
      %dma_wait3A = arith.constant 0 : i32
      %dma_wait3A_201 = tpu.memref_slice %arg15[%add3A_17, %dma_wait3A] : memref<10000x80xf32, #tpu.memory_space<vmem_shared>> -> memref<208x80xf32, #tpu.memory_space<vmem_shared>>
      %dma_wait3A_202 = arith.constant 0 : i32
      %dma_wait3A_203 = tpu.memref_slice %arg15[%add3A_17, %dma_wait3A_202] : memref<10000x80xf32, #tpu.memory_space<vmem_shared>> -> memref<208x80xf32, #tpu.memory_space<vmem_shared>>
      tpu.wait_dma2 semaphore(%run_scoped3A : memref<!tpu.dma_semaphore, #tpu.memory_space<semaphore_mem>>) src(%arg14 : memref<208x80xf32, #tpu.memory_space<vmem>>) dst(%dma_wait3A_203 : memref<208x80xf32, #tpu.memory_space<vmem_shared>>)
      tpu.yield
    }) : () -> ()
    %eq3A = arith.constant 15 : i32
    %eq3A_18 = arith.cmpi eq, %arg1, %eq3A : i32
    %convert_element_type3A = arith.extui %eq3A_18 : i1 to i32
    %cond3A = arith.constant 0 : i32
    %cond3A_19 = arith.cmpi ne, %convert_element_type3A, %cond3A : i32
    scf.if %cond3A_19 {
      "tpu.region"() ({
        %run_scoped3A = tpu.sem_alloc : memref<!tpu.dma_semaphore, #tpu.memory_space<semaphore_mem>>
        %dma_start3A = arith.constant 0 : i32
        %dma_start3A_198 = arith.constant 0 : i32
        %dma_start3A_199 = tpu.memref_slice %arg14[%dma_start3A, %dma_start3A_198] : memref<208x80xf32, #tpu.memory_space<vmem>> -> memref<16x80xf32, #tpu.memory_space<vmem>>
        %dma_start3A_200 = arith.constant 9984 : i32
        %dma_start3A_201 = arith.constant 0 : i32
        %dma_start3A_202 = tpu.memref_slice %arg15[%dma_start3A_200, %dma_start3A_201] : memref<10000x80xf32, #tpu.memory_space<vmem_shared>> -> memref<16x80xf32, #tpu.memory_space<vmem_shared>>
        %dma_start3A_203 = arith.constant 9984 : i32
        %dma_start3A_204 = arith.constant 0 : i32
        %dma_start3A_205 = tpu.memref_slice %arg15[%dma_start3A_203, %dma_start3A_204] : memref<10000x80xf32, #tpu.memory_space<vmem_shared>> -> memref<16x80xf32, #tpu.memory_space<vmem_shared>>
        %dma_start3A_206 = arith.constant 0 : i32
        %dma_start3A_207 = arith.constant 0 : i32
        %dma_start3A_208 = tpu.memref_slice %arg14[%dma_start3A_206, %dma_start3A_207] : memref<208x80xf32, #tpu.memory_space<vmem>> -> memref<16x80xf32, #tpu.memory_space<vmem>>
        tpu.enqueue_dma source(%dma_start3A_208 : memref<16x80xf32, #tpu.memory_space<vmem>>) target(%dma_start3A_205 : memref<16x80xf32, #tpu.memory_space<vmem_shared>>) target_semaphore(%run_scoped3A : memref<!tpu.dma_semaphore, #tpu.memory_space<semaphore_mem>>)
        %dma_wait3A = arith.constant 0 : i32
        %dma_wait3A_209 = arith.constant 0 : i32
        %dma_wait3A_210 = tpu.memref_slice %arg14[%dma_wait3A, %dma_wait3A_209] : memref<208x80xf32, #tpu.memory_space<vmem>> -> memref<16x80xf32, #tpu.memory_space<vmem>>
        %dma_wait3A_211 = arith.constant 9984 : i32
        %dma_wait3A_212 = arith.constant 0 : i32
        %dma_wait3A_213 = tpu.memref_slice %arg15[%dma_wait3A_211, %dma_wait3A_212] : memref<10000x80xf32, #tpu.memory_space<vmem_shared>> -> memref<16x80xf32, #tpu.memory_space<vmem_shared>>
        %dma_wait3A_214 = arith.constant 9984 : i32
        %dma_wait3A_215 = arith.constant 0 : i32
        %dma_wait3A_216 = tpu.memref_slice %arg15[%dma_wait3A_214, %dma_wait3A_215] : memref<10000x80xf32, #tpu.memory_space<vmem_shared>> -> memref<16x80xf32, #tpu.memory_space<vmem_shared>>
        %dma_wait3A_217 = arith.constant 0 : i32
        %dma_wait3A_218 = arith.constant 0 : i32
        %dma_wait3A_219 = tpu.memref_slice %arg14[%dma_wait3A_217, %dma_wait3A_218] : memref<208x80xf32, #tpu.memory_space<vmem>> -> memref<16x80xf32, #tpu.memory_space<vmem>>
        tpu.wait_dma2 semaphore(%run_scoped3A : memref<!tpu.dma_semaphore, #tpu.memory_space<semaphore_mem>>) src(%dma_wait3A_219 : memref<16x80xf32, #tpu.memory_space<vmem>>) dst(%dma_wait3A_216 : memref<16x80xf32, #tpu.memory_space<vmem_shared>>)
        tpu.yield
      }) : () -> ()
    } else {
    }
    "tpu.region"() ({
      %run_scoped3A = tpu.sem_alloc : memref<!tpu.dma_semaphore, #tpu.memory_space<semaphore_mem>>
      tpu.enqueue_dma source(%arg4 : memref<16xf32, #tpu.memory_space<hbm>>) target(%arg13 : memref<16xf32, #tpu.memory_space<vmem>>) target_semaphore(%run_scoped3A : memref<!tpu.dma_semaphore, #tpu.memory_space<semaphore_mem>>)
      tpu.wait_dma2 semaphore(%run_scoped3A : memref<!tpu.dma_semaphore, #tpu.memory_space<semaphore_mem>>) src(%arg4 : memref<16xf32, #tpu.memory_space<hbm>>) dst(%arg13 : memref<16xf32, #tpu.memory_space<vmem>>)
      tpu.yield
    }) : () -> ()
    %barrier3A = arith.constant 0 : index
    tpu.barrier barrier_id(%barrier3A)
    %get3A = arith.constant 0 : index
    %get3A_20 = tpu.vector_load %arg13[%get3A] {strides = array<i32>} : memref<16xf32, #tpu.memory_space<vmem>>, vector<16xf32>,
    %iota3A = tpu.iota {dimensions = array<i32: 0>} : vector<16xi32>
    %add3A_21 = arith.constant 0 : i32
    %add3A_22 = vector.broadcast %add3A_21 : i32 to vector<16xi32>
    %add3A_23 = arith.addi %iota3A, %add3A_22 : vector<16xi32>
    %jit3A = arith.constant 8 : i32
    %div3A = vector.broadcast %jit3A : i32 to vector<16xi32>
    %div3A_24 = arith.divsi %add3A_23, %div3A : vector<16xi32>
    %sign3A = arith.constant 0 : i32
    %sign3A_25 = vector.broadcast %sign3A : i32 to vector<16xi32>
    %sign3A_26 = arith.cmpi sgt, %add3A_23, %sign3A_25 : vector<16xi32>
    %sign3A_27 = arith.extui %sign3A_26 : vector<16xi1> to vector<16xi32>
    %sign3A_28 = arith.constant 0 : i32
    %sign3A_29 = vector.broadcast %sign3A_28 : i32 to vector<16xi32>
    %sign3A_30 = arith.cmpi slt, %add3A_23, %sign3A_29 : vector<16xi32>
    %sign3A_31 = arith.extui %sign3A_30 : vector<16xi1> to vector<16xi32>
    %sign3A_32 = arith.subi %sign3A_27, %sign3A_31 : vector<16xi32>
    %sign3A_33 = arith.constant 0 : i32
    %sign3A_34 = arith.cmpi sgt, %jit3A, %sign3A_33 : i32
    %sign3A_35 = arith.extui %sign3A_34 : i1 to i32
    %sign3A_36 = arith.constant 0 : i32
    %sign3A_37 = arith.cmpi slt, %jit3A, %sign3A_36 : i32
    %sign3A_38 = arith.extui %sign3A_37 : i1 to i32
    %sign3A_39 = arith.subi %sign3A_35, %sign3A_38 : i32
    %ne3A = vector.broadcast %sign3A_39 : i32 to vector<16xi32>
    %ne3A_40 = arith.cmpi ne, %sign3A_32, %ne3A : vector<16xi32>
    %rem3A = vector.broadcast %jit3A : i32 to vector<16xi32>
    %rem3A_41 = arith.remsi %add3A_23, %rem3A : vector<16xi32>
    %ne3A_42 = arith.constant 0 : i32
    %ne3A_43 = vector.broadcast %ne3A_42 : i32 to vector<16xi32>
    %ne3A_44 = arith.cmpi ne, %rem3A_41, %ne3A_43 : vector<16xi32>
    %and3A = arith.andi %ne3A_40, %ne3A_44 : vector<16xi1>
    %sub3A = arith.constant 1 : i32
    %sub3A_45 = vector.broadcast %sub3A : i32 to vector<16xi32>
    %sub3A_46 = arith.subi %div3A_24, %sub3A_45 : vector<16xi32>
    %select_n3A = arith.select %and3A, %sub3A_46, %div3A_24 : vector<16xi1>, vector<16xi32>
    %add3A_47 = arith.constant 16 : i32
    %add3A_48 = vector.broadcast %add3A_47 : i32 to vector<16xi32>
    %add3A_49 = arith.addi %iota3A, %add3A_48 : vector<16xi32>
    %jit3A_50 = arith.constant 8 : i32
    %div3A_51 = vector.broadcast %jit3A_50 : i32 to vector<16xi32>
    %div3A_52 = arith.divsi %add3A_49, %div3A_51 : vector<16xi32>
    %sign3A_53 = arith.constant 0 : i32
    %sign3A_54 = vector.broadcast %sign3A_53 : i32 to vector<16xi32>
    %sign3A_55 = arith.cmpi sgt, %add3A_49, %sign3A_54 : vector<16xi32>
    %sign3A_56 = arith.extui %sign3A_55 : vector<16xi1> to vector<16xi32>
    %sign3A_57 = arith.constant 0 : i32
    %sign3A_58 = vector.broadcast %sign3A_57 : i32 to vector<16xi32>
    %sign3A_59 = arith.cmpi slt, %add3A_49, %sign3A_58 : vector<16xi32>
    %sign3A_60 = arith.extui %sign3A_59 : vector<16xi1> to vector<16xi32>
    %sign3A_61 = arith.subi %sign3A_56, %sign3A_60 : vector<16xi32>
    %sign3A_62 = arith.constant 0 : i32
    %sign3A_63 = arith.cmpi sgt, %jit3A_50, %sign3A_62 : i32
    %sign3A_64 = arith.extui %sign3A_63 : i1 to i32
    %sign3A_65 = arith.constant 0 : i32
    %sign3A_66 = arith.cmpi slt, %jit3A_50, %sign3A_65 : i32
    %sign3A_67 = arith.extui %sign3A_66 : i1 to i32
    %sign3A_68 = arith.subi %sign3A_64, %sign3A_67 : i32
    %ne3A_69 = vector.broadcast %sign3A_68 : i32 to vector<16xi32>
    %ne3A_70 = arith.cmpi ne, %sign3A_61, %ne3A_69 : vector<16xi32>
    %rem3A_71 = vector.broadcast %jit3A_50 : i32 to vector<16xi32>
    %rem3A_72 = arith.remsi %add3A_49, %rem3A_71 : vector<16xi32>
    %ne3A_73 = arith.constant 0 : i32
    %ne3A_74 = vector.broadcast %ne3A_73 : i32 to vector<16xi32>
    %ne3A_75 = arith.cmpi ne, %rem3A_72, %ne3A_74 : vector<16xi32>
    %and3A_76 = arith.andi %ne3A_70, %ne3A_75 : vector<16xi1>
    %sub3A_77 = arith.constant 1 : i32
    %sub3A_78 = vector.broadcast %sub3A_77 : i32 to vector<16xi32>
    %sub3A_79 = arith.subi %div3A_52, %sub3A_78 : vector<16xi32>
    %select_n3A_80 = arith.select %and3A_76, %sub3A_79, %div3A_52 : vector<16xi1>, vector<16xi32>
    %add3A_81 = arith.constant 32 : i32
    %add3A_82 = vector.broadcast %add3A_81 : i32 to vector<16xi32>
    %add3A_83 = arith.addi %iota3A, %add3A_82 : vector<16xi32>
    %jit3A_84 = arith.constant 8 : i32
    %div3A_85 = vector.broadcast %jit3A_84 : i32 to vector<16xi32>
    %div3A_86 = arith.divsi %add3A_83, %div3A_85 : vector<16xi32>
    %sign3A_87 = arith.constant 0 : i32
    %sign3A_88 = vector.broadcast %sign3A_87 : i32 to vector<16xi32>
    %sign3A_89 = arith.cmpi sgt, %add3A_83, %sign3A_88 : vector<16xi32>
    %sign3A_90 = arith.extui %sign3A_89 : vector<16xi1> to vector<16xi32>
    %sign3A_91 = arith.constant 0 : i32
    %sign3A_92 = vector.broadcast %sign3A_91 : i32 to vector<16xi32>
    %sign3A_93 = arith.cmpi slt, %add3A_83, %sign3A_92 : vector<16xi32>
    %sign3A_94 = arith.extui %sign3A_93 : vector<16xi1> to vector<16xi32>
    %sign3A_95 = arith.subi %sign3A_90, %sign3A_94 : vector<16xi32>
    %sign3A_96 = arith.constant 0 : i32
    %sign3A_97 = arith.cmpi sgt, %jit3A_84, %sign3A_96 : i32
    %sign3A_98 = arith.extui %sign3A_97 : i1 to i32
    %sign3A_99 = arith.constant 0 : i32
    %sign3A_100 = arith.cmpi slt, %jit3A_84, %sign3A_99 : i32
    %sign3A_101 = arith.extui %sign3A_100 : i1 to i32
    %sign3A_102 = arith.subi %sign3A_98, %sign3A_101 : i32
    %ne3A_103 = vector.broadcast %sign3A_102 : i32 to vector<16xi32>
    %ne3A_104 = arith.cmpi ne, %sign3A_95, %ne3A_103 : vector<16xi32>
    %rem3A_105 = vector.broadcast %jit3A_84 : i32 to vector<16xi32>
    %rem3A_106 = arith.remsi %add3A_83, %rem3A_105 : vector<16xi32>
    %ne3A_107 = arith.constant 0 : i32
    %ne3A_108 = vector.broadcast %ne3A_107 : i32 to vector<16xi32>
    %ne3A_109 = arith.cmpi ne, %rem3A_106, %ne3A_108 : vector<16xi32>
    %and3A_110 = arith.andi %ne3A_104, %ne3A_109 : vector<16xi1>
    %sub3A_111 = arith.constant 1 : i32
    %sub3A_112 = vector.broadcast %sub3A_111 : i32 to vector<16xi32>
    %sub3A_113 = arith.subi %div3A_86, %sub3A_112 : vector<16xi32>
    %select_n3A_114 = arith.select %and3A_110, %sub3A_113, %div3A_86 : vector<16xi1>, vector<16xi32>
    %add3A_115 = arith.constant 48 : i32
    %add3A_116 = vector.broadcast %add3A_115 : i32 to vector<16xi32>
    %add3A_117 = arith.addi %iota3A, %add3A_116 : vector<16xi32>
    %jit3A_118 = arith.constant 8 : i32
    %div3A_119 = vector.broadcast %jit3A_118 : i32 to vector<16xi32>
    %div3A_120 = arith.divsi %add3A_117, %div3A_119 : vector<16xi32>
    %sign3A_121 = arith.constant 0 : i32
    %sign3A_122 = vector.broadcast %sign3A_121 : i32 to vector<16xi32>
    %sign3A_123 = arith.cmpi sgt, %add3A_117, %sign3A_122 : vector<16xi32>
    %sign3A_124 = arith.extui %sign3A_123 : vector<16xi1> to vector<16xi32>
    %sign3A_125 = arith.constant 0 : i32
    %sign3A_126 = vector.broadcast %sign3A_125 : i32 to vector<16xi32>
    %sign3A_127 = arith.cmpi slt, %add3A_117, %sign3A_126 : vector<16xi32>
    %sign3A_128 = arith.extui %sign3A_127 : vector<16xi1> to vector<16xi32>
    %sign3A_129 = arith.subi %sign3A_124, %sign3A_128 : vector<16xi32>
    %sign3A_130 = arith.constant 0 : i32
    %sign3A_131 = arith.cmpi sgt, %jit3A_118, %sign3A_130 : i32
    %sign3A_132 = arith.extui %sign3A_131 : i1 to i32
    %sign3A_133 = arith.constant 0 : i32
    %sign3A_134 = arith.cmpi slt, %jit3A_118, %sign3A_133 : i32
    %sign3A_135 = arith.extui %sign3A_134 : i1 to i32
    %sign3A_136 = arith.subi %sign3A_132, %sign3A_135 : i32
    %ne3A_137 = vector.broadcast %sign3A_136 : i32 to vector<16xi32>
    %ne3A_138 = arith.cmpi ne, %sign3A_129, %ne3A_137 : vector<16xi32>
    %rem3A_139 = vector.broadcast %jit3A_118 : i32 to vector<16xi32>
    %rem3A_140 = arith.remsi %add3A_117, %rem3A_139 : vector<16xi32>
    %ne3A_141 = arith.constant 0 : i32
    %ne3A_142 = vector.broadcast %ne3A_141 : i32 to vector<16xi32>
    %ne3A_143 = arith.cmpi ne, %rem3A_140, %ne3A_142 : vector<16xi32>
    %and3A_144 = arith.andi %ne3A_138, %ne3A_143 : vector<16xi1>
    %sub3A_145 = arith.constant 1 : i32
    %sub3A_146 = vector.broadcast %sub3A_145 : i32 to vector<16xi32>
    %sub3A_147 = arith.subi %div3A_120, %sub3A_146 : vector<16xi32>
    %select_n3A_148 = arith.select %and3A_144, %sub3A_147, %div3A_120 : vector<16xi1>, vector<16xi32>
    %sub3A_149 = arith.constant 5000 : i32
    %sub3A_150 = arith.subi %sub3A_149, %add3A : i32
    %add3A_151 = arith.constant 32 : i32
    %add3A_152 = arith.addi %sub3A_150, %add3A_151 : i32
    %sub3A_153 = arith.constant 1 : i32
    %sub3A_154 = arith.subi %add3A_152, %sub3A_153 : i32
    %jit3A_155 = arith.constant 32 : i32
    %div3A_156 = arith.divsi %sub3A_154, %jit3A_155 : i32
    %sign3A_157 = arith.constant 0 : i32
    %sign3A_158 = arith.cmpi sgt, %sub3A_154, %sign3A_157 : i32
    %sign3A_159 = arith.extui %sign3A_158 : i1 to i32
    %sign3A_160 = arith.constant 0 : i32
    %sign3A_161 = arith.cmpi slt, %sub3A_154, %sign3A_160 : i32
    %sign3A_162 = arith.extui %sign3A_161 : i1 to i32
    %sign3A_163 = arith.subi %sign3A_159, %sign3A_162 : i32
    %sign3A_164 = arith.constant 0 : i32
    %sign3A_165 = arith.cmpi sgt, %jit3A_155, %sign3A_164 : i32
    %sign3A_166 = arith.extui %sign3A_165 : i1 to i32
    %sign3A_167 = arith.constant 0 : i32
    %sign3A_168 = arith.cmpi slt, %jit3A_155, %sign3A_167 : i32
    %sign3A_169 = arith.extui %sign3A_168 : i1 to i32
    %sign3A_170 = arith.subi %sign3A_166, %sign3A_169 : i32
    %ne3A_171 = arith.cmpi ne, %sign3A_163, %sign3A_170 : i32
    %rem3A_172 = arith.remsi %sub3A_154, %jit3A_155 : i32
    %ne3A_173 = arith.constant 0 : i32
    %ne3A_174 = arith.cmpi ne, %rem3A_172, %ne3A_173 : i32
    %and3A_175 = arith.andi %ne3A_171, %ne3A_174 : i1
    %sub3A_176 = arith.constant 1 : i32
    %sub3A_177 = arith.subi %div3A_156, %sub3A_176 : i32
    %select_n3A_178 = arith.select %and3A_175, %sub3A_177, %div3A_156 : i32
    %while3A = arith.constant 0 : i32
    %while3A_179 = arith.constant 0 : i32
    %while3A_180 = arith.subi %select_n3A_178, %while3A_179 : i32
    %while3A_181 = arith.addi %while3A_179, %while3A_180 : i32
    %while3A_182 = arith.constant 1 : i32
    %while3A_183 = arith.divsi %while3A_180, %while3A_182 : i32
    %while3A_184 = arith.muli %while3A_183, %while3A_182 : i32
    %while3A_185 = arith.addi %while3A_179, %while3A_184 : i32
    %while3A_186 = arith.constant 1 : i32
    scf.for %while3A_198 = %while3A_179 to %while3A_185 step %while3A_186  : i32 {
      %mul3A_199 = arith.constant 32 : i32
      %mul3A_200 = arith.muli %while3A_198, %mul3A_199 : i32
      %add3A_201 = arith.addi %add3A, %mul3A_200 : i32
      %mul3A_202 = arith.constant 128 : i32
      %mul3A_203 = arith.muli %add3A_201, %mul3A_202 : i32
      "tpu.region"() ({
        %run_scoped3A = tpu.sem_alloc : memref<!tpu.dma_semaphore, #tpu.memory_space<semaphore_mem>>
        %dma_start3A_219 = tpu.memref_slice %arg5[%mul3A_203] : memref<640000xi32, #tpu.memory_space<hbm>> -> memref<128xi32, #tpu.memory_space<hbm>>
        %dma_start3A_220 = tpu.memref_slice %arg5[%mul3A_203] : memref<640000xi32, #tpu.memory_space<hbm>> -> memref<128xi32, #tpu.memory_space<hbm>>
        tpu.enqueue_dma source(%dma_start3A_220 : memref<128xi32, #tpu.memory_space<hbm>>) target(%arg8 : memref<128xi32, #tpu.memory_space<vmem>>) target_semaphore(%run_scoped3A : memref<!tpu.dma_semaphore, #tpu.memory_space<semaphore_mem>>)
        %dma_wait3A_221 = tpu.memref_slice %arg5[%mul3A_203] : memref<640000xi32, #tpu.memory_space<hbm>> -> memref<128xi32, #tpu.memory_space<hbm>>
        %dma_wait3A_222 = tpu.memref_slice %arg5[%mul3A_203] : memref<640000xi32, #tpu.memory_space<hbm>> -> memref<128xi32, #tpu.memory_space<hbm>>
        tpu.wait_dma2 semaphore(%run_scoped3A : memref<!tpu.dma_semaphore, #tpu.memory_space<semaphore_mem>>) src(%dma_wait3A_222 : memref<128xi32, #tpu.memory_space<hbm>>) dst(%arg8 : memref<128xi32, #tpu.memory_space<vmem>>)
        tpu.yield
      }) : () -> ()
      "tpu.region"() ({
        %run_scoped3A = tpu.sem_alloc : memref<!tpu.dma_semaphore, #tpu.memory_space<semaphore_mem>>
        %dma_start3A_219 = tpu.memref_slice %arg6[%mul3A_203] : memref<640000xi32, #tpu.memory_space<hbm>> -> memref<128xi32, #tpu.memory_space<hbm>>
        %dma_start3A_220 = tpu.memref_slice %arg6[%mul3A_203] : memref<640000xi32, #tpu.memory_space<hbm>> -> memref<128xi32, #tpu.memory_space<hbm>>
        tpu.enqueue_dma source(%dma_start3A_220 : memref<128xi32, #tpu.memory_space<hbm>>) target(%arg9 : memref<128xi32, #tpu.memory_space<vmem>>) target_semaphore(%run_scoped3A : memref<!tpu.dma_semaphore, #tpu.memory_space<semaphore_mem>>)
        %dma_wait3A_221 = tpu.memref_slice %arg6[%mul3A_203] : memref<640000xi32, #tpu.memory_space<hbm>> -> memref<128xi32, #tpu.memory_space<hbm>>
        %dma_wait3A_222 = tpu.memref_slice %arg6[%mul3A_203] : memref<640000xi32, #tpu.memory_space<hbm>> -> memref<128xi32, #tpu.memory_space<hbm>>
        tpu.wait_dma2 semaphore(%run_scoped3A : memref<!tpu.dma_semaphore, #tpu.memory_space<semaphore_mem>>) src(%dma_wait3A_222 : memref<128xi32, #tpu.memory_space<hbm>>) dst(%arg9 : memref<128xi32, #tpu.memory_space<vmem>>)
        tpu.yield
      }) : () -> ()
      %dma_start3A = arith.constant 0 : i32
      %dma_start3A_204 = arith.constant 0 : i32
      %dma_start3A_205 = tpu.memref_slice %arg2[%dma_start3A, %dma_start3A_204] : memref<10000x80xf32, #tpu.memory_space<hbm>> -> memref<10000x80xf32, #tpu.memory_space<hbm>>
      tpu.enqueue_indirect_dma source(%dma_start3A_205 : memref<10000x80xf32, #tpu.memory_space<hbm>>) target(%arg10 : memref<128x80xf32, #tpu.memory_space<vmem>>) offsets(%arg8 : memref<128xi32, #tpu.memory_space<vmem>>) semaphore(%arg16 : memref<!tpu.dma_semaphore, #tpu.memory_space<semaphore_mem>>)
      %dma_start3A_206 = arith.constant 0 : i32
      %dma_start3A_207 = arith.constant 0 : i32
      %dma_start3A_208 = tpu.memref_slice %arg3[%dma_start3A_206, %dma_start3A_207] : memref<10000x16xf32, #tpu.memory_space<hbm>> -> memref<10000x16xf32, #tpu.memory_space<hbm>>
      tpu.enqueue_indirect_dma source(%dma_start3A_208 : memref<10000x16xf32, #tpu.memory_space<hbm>>) target(%arg11 : memref<128x16xf32, #tpu.memory_space<vmem>>) offsets(%arg9 : memref<128xi32, #tpu.memory_space<vmem>>) semaphore(%arg17 : memref<!tpu.dma_semaphore, #tpu.memory_space<semaphore_mem>>)
      %dma_wait3A = arith.constant 0 : i32
      %dma_wait3A_209 = arith.constant 0 : i32
      %dma_wait3A_210 = tpu.memref_slice %arg2[%dma_wait3A, %dma_wait3A_209] : memref<10000x80xf32, #tpu.memory_space<hbm>> -> memref<10000x80xf32, #tpu.memory_space<hbm>>
      tpu.wait_indirect_dma semaphore(%arg16 : memref<!tpu.dma_semaphore, #tpu.memory_space<semaphore_mem>>) src(%dma_wait3A_210 : memref<10000x80xf32, #tpu.memory_space<hbm>>) dst(%arg10 : memref<128x80xf32, #tpu.memory_space<vmem>>)
      %dma_wait3A_211 = arith.constant 0 : i32
      %dma_wait3A_212 = arith.constant 0 : i32
      %dma_wait3A_213 = tpu.memref_slice %arg3[%dma_wait3A_211, %dma_wait3A_212] : memref<10000x16xf32, #tpu.memory_space<hbm>> -> memref<10000x16xf32, #tpu.memory_space<hbm>>
      tpu.wait_indirect_dma semaphore(%arg17 : memref<!tpu.dma_semaphore, #tpu.memory_space<semaphore_mem>>) src(%dma_wait3A_213 : memref<10000x16xf32, #tpu.memory_space<hbm>>) dst(%arg11 : memref<128x16xf32, #tpu.memory_space<vmem>>)
      %scan3A_214 = arith.constant 0 : i32
      %scan3A_215 = arith.constant 128 : i32
      %scan3A_216 = arith.addi %scan3A_214, %scan3A_215 : i32
      %scan3A_217 = arith.constant 1 : i32
      scf.for %scan3A_219 = %scan3A_214 to %scan3A_216 step %scan3A_217  : i32 {
        %mul3A_220 = arith.constant 1 : i32
        %mul3A_221 = arith.muli %scan3A_219, %mul3A_220 : i32
        %add3A_222 = arith.constant 0 : i32
        %add3A_223 = arith.addi %add3A_222, %mul3A_221 : i32
        %get3A_224 = arith.index_cast %add3A_223 : i32 to index
        %get3A_225 = arith.constant 0 : index
        %get3A_226 = tpu.vector_load %arg10[%get3A_224, %get3A_225] {strides = array<i32>} : memref<128x80xf32, #tpu.memory_space<vmem>>, vector<16xf32>,
        %get3A_227 = arith.index_cast %add3A_223 : i32 to index
        %get3A_228 = arith.constant 0 : index
        %get3A_229 = tpu.vector_load %arg11[%get3A_227, %get3A_228] {strides = array<i32>} : memref<128x16xf32, #tpu.memory_space<vmem>>, vector<16xf32>,
        %add3A_230 = arith.addf %get3A_226, %get3A_229 : vector<16xf32>
        %mul3A_231 = arith.constant 2.000000e-01 : f32
        %mul3A_232 = vector.broadcast %mul3A_231 : f32 to vector<16xf32>
        %mul3A_233 = arith.mulf %mul3A_232, %add3A_230 : vector<16xf32>
        %max3A = arith.maximumf %add3A_230, %mul3A_233 : vector<16xf32>
        %sub3A_234 = arith.subf %max3A, %get3A_20 : vector<16xf32>
        %exp3A = math.exp %sub3A_234 : vector<16xf32>
        %swap3A = arith.index_cast %add3A_223 : i32 to index
        %swap3A_235 = arith.constant 0 : index
        %swap3A_236 = tpu.vector_load %arg12[%swap3A, %swap3A_235] {strides = array<i32>} : memref<128x80xf32, #tpu.memory_space<vmem>>, vector<16xf32>,
        tpu.vector_store %arg12[%swap3A, %swap3A_235], %exp3A {strides = array<i32>} : memref<128x80xf32, #tpu.memory_space<vmem>>, vector<16xf32>,
        %get3A_237 = arith.index_cast %add3A_223 : i32 to index
        %get3A_238 = arith.constant 16 : index
        %get3A_239 = tpu.vector_load %arg10[%get3A_237, %get3A_238] {strides = array<i32>} : memref<128x80xf32, #tpu.memory_space<vmem>>, vector<16xf32>,
        %reshape3A = vector.shape_cast %select_n3A : vector<16xi32> to vector<16x1xi32>
        %gather3A = vector.shape_cast %reshape3A : vector<16x1xi32> to vector<16xi32>
        %gather3A_240 = tpu.dynamic_gather %exp3A[%gather3A] in [0] : vector<16xf32>, vector<16xi32> -> vector<16xf32>
        %mul3A_241 = arith.mulf %get3A_239, %gather3A_240 : vector<16xf32>
        %swap3A_242 = arith.index_cast %add3A_223 : i32 to index
        %swap3A_243 = arith.constant 16 : index
        %swap3A_244 = tpu.vector_load %arg12[%swap3A_242, %swap3A_243] {strides = array<i32>} : memref<128x80xf32, #tpu.memory_space<vmem>>, vector<16xf32>,
        tpu.vector_store %arg12[%swap3A_242, %swap3A_243], %mul3A_241 {strides = array<i32>} : memref<128x80xf32, #tpu.memory_space<vmem>>, vector<16xf32>,
        %get3A_245 = arith.index_cast %add3A_223 : i32 to index
        %get3A_246 = arith.constant 32 : index
        %get3A_247 = tpu.vector_load %arg10[%get3A_245, %get3A_246] {strides = array<i32>} : memref<128x80xf32, #tpu.memory_space<vmem>>, vector<16xf32>,
        %reshape3A_248 = vector.shape_cast %select_n3A_80 : vector<16xi32> to vector<16x1xi32>
        %gather3A_249 = vector.shape_cast %reshape3A_248 : vector<16x1xi32> to vector<16xi32>
        %gather3A_250 = tpu.dynamic_gather %exp3A[%gather3A_249] in [0] : vector<16xf32>, vector<16xi32> -> vector<16xf32>
        %mul3A_251 = arith.mulf %get3A_247, %gather3A_250 : vector<16xf32>
        %swap3A_252 = arith.index_cast %add3A_223 : i32 to index
        %swap3A_253 = arith.constant 32 : index
        %swap3A_254 = tpu.vector_load %arg12[%swap3A_252, %swap3A_253] {strides = array<i32>} : memref<128x80xf32, #tpu.memory_space<vmem>>, vector<16xf32>,
        tpu.vector_store %arg12[%swap3A_252, %swap3A_253], %mul3A_251 {strides = array<i32>} : memref<128x80xf32, #tpu.memory_space<vmem>>, vector<16xf32>,
        %get3A_255 = arith.index_cast %add3A_223 : i32 to index
        %get3A_256 = arith.constant 48 : index
        %get3A_257 = tpu.vector_load %arg10[%get3A_255, %get3A_256] {strides = array<i32>} : memref<128x80xf32, #tpu.memory_space<vmem>>, vector<16xf32>,
        %reshape3A_258 = vector.shape_cast %select_n3A_114 : vector<16xi32> to vector<16x1xi32>
        %gather3A_259 = vector.shape_cast %reshape3A_258 : vector<16x1xi32> to vector<16xi32>
        %gather3A_260 = tpu.dynamic_gather %exp3A[%gather3A_259] in [0] : vector<16xf32>, vector<16xi32> -> vector<16xf32>
        %mul3A_261 = arith.mulf %get3A_257, %gather3A_260 : vector<16xf32>
        %swap3A_262 = arith.index_cast %add3A_223 : i32 to index
        %swap3A_263 = arith.constant 48 : index
        %swap3A_264 = tpu.vector_load %arg12[%swap3A_262, %swap3A_263] {strides = array<i32>} : memref<128x80xf32, #tpu.memory_space<vmem>>, vector<16xf32>,
        tpu.vector_store %arg12[%swap3A_262, %swap3A_263], %mul3A_261 {strides = array<i32>} : memref<128x80xf32, #tpu.memory_space<vmem>>, vector<16xf32>,
        %get3A_265 = arith.index_cast %add3A_223 : i32 to index
        %get3A_266 = arith.constant 64 : index
        %get3A_267 = tpu.vector_load %arg10[%get3A_265, %get3A_266] {strides = array<i32>} : memref<128x80xf32, #tpu.memory_space<vmem>>, vector<16xf32>,
        %reshape3A_268 = vector.shape_cast %select_n3A_148 : vector<16xi32> to vector<16x1xi32>
        %gather3A_269 = vector.shape_cast %reshape3A_268 : vector<16x1xi32> to vector<16xi32>
        %gather3A_270 = tpu.dynamic_gather %exp3A[%gather3A_269] in [0] : vector<16xf32>, vector<16xi32> -> vector<16xf32>
        %mul3A_271 = arith.mulf %get3A_267, %gather3A_270 : vector<16xf32>
        %swap3A_272 = arith.index_cast %add3A_223 : i32 to index
        %swap3A_273 = arith.constant 64 : index
        %swap3A_274 = tpu.vector_load %arg12[%swap3A_272, %swap3A_273] {strides = array<i32>} : memref<128x80xf32, #tpu.memory_space<vmem>>, vector<16xf32>,
        tpu.vector_store %arg12[%swap3A_272, %swap3A_273], %mul3A_271 {strides = array<i32>} : memref<128x80xf32, #tpu.memory_space<vmem>>, vector<16xf32>,
      }
      %scan3A_218 = arith.constant 128 : i32
      "tpu.region"() ({
        %run_scoped3A = tpu.sem_alloc : memref<!tpu.dma_semaphore, #tpu.memory_space<semaphore_mem>>
        %dma_start3A_219 = arith.constant 0 : i32
        %dma_start3A_220 = arith.constant 0 : i32
        %dma_start3A_221 = tpu.memref_slice %arg15[%dma_start3A_219, %dma_start3A_220] : memref<10000x80xf32, #tpu.memory_space<vmem_shared>> -> memref<10000x80xf32, #tpu.memory_space<vmem_shared>>
        tpu.enqueue_indirect_dma source(%arg12 : memref<128x80xf32, #tpu.memory_space<vmem>>) target(%dma_start3A_221 : memref<10000x80xf32, #tpu.memory_space<vmem_shared>>) offsets(%arg9 : memref<128xi32, #tpu.memory_space<vmem>>) semaphore(%run_scoped3A : memref<!tpu.dma_semaphore, #tpu.memory_space<semaphore_mem>>) {add = true}
        %dma_wait3A_222 = arith.constant 0 : i32
        %dma_wait3A_223 = arith.constant 0 : i32
        %dma_wait3A_224 = tpu.memref_slice %arg15[%dma_wait3A_222, %dma_wait3A_223] : memref<10000x80xf32, #tpu.memory_space<vmem_shared>> -> memref<10000x80xf32, #tpu.memory_space<vmem_shared>>
        tpu.wait_indirect_dma semaphore(%run_scoped3A : memref<!tpu.dma_semaphore, #tpu.memory_space<semaphore_mem>>) src(%arg12 : memref<128x80xf32, #tpu.memory_space<vmem>>) dst(%dma_wait3A_224 : memref<10000x80xf32, #tpu.memory_space<vmem_shared>>)
        tpu.yield
      }) : () -> ()
    }
    %while3A_187 = arith.constant 1 : i32
    scf.for %while3A_198 = %while3A_185 to %while3A_181 step %while3A_187  : i32 {
      %mul3A_199 = arith.constant 32 : i32
      %mul3A_200 = arith.muli %while3A_198, %mul3A_199 : i32
      %add3A_201 = arith.addi %add3A, %mul3A_200 : i32
      %mul3A_202 = arith.constant 128 : i32
      %mul3A_203 = arith.muli %add3A_201, %mul3A_202 : i32
      "tpu.region"() ({
        %run_scoped3A = tpu.sem_alloc : memref<!tpu.dma_semaphore, #tpu.memory_space<semaphore_mem>>
        %dma_start3A_219 = tpu.memref_slice %arg5[%mul3A_203] : memref<640000xi32, #tpu.memory_space<hbm>> -> memref<128xi32, #tpu.memory_space<hbm>>
        %dma_start3A_220 = tpu.memref_slice %arg5[%mul3A_203] : memref<640000xi32, #tpu.memory_space<hbm>> -> memref<128xi32, #tpu.memory_space<hbm>>
        tpu.enqueue_dma source(%dma_start3A_220 : memref<128xi32, #tpu.memory_space<hbm>>) target(%arg8 : memref<128xi32, #tpu.memory_space<vmem>>) target_semaphore(%run_scoped3A : memref<!tpu.dma_semaphore, #tpu.memory_space<semaphore_mem>>)
        %dma_wait3A_221 = tpu.memref_slice %arg5[%mul3A_203] : memref<640000xi32, #tpu.memory_space<hbm>> -> memref<128xi32, #tpu.memory_space<hbm>>
        %dma_wait3A_222 = tpu.memref_slice %arg5[%mul3A_203] : memref<640000xi32, #tpu.memory_space<hbm>> -> memref<128xi32, #tpu.memory_space<hbm>>
        tpu.wait_dma2 semaphore(%run_scoped3A : memref<!tpu.dma_semaphore, #tpu.memory_space<semaphore_mem>>) src(%dma_wait3A_222 : memref<128xi32, #tpu.memory_space<hbm>>) dst(%arg8 : memref<128xi32, #tpu.memory_space<vmem>>)
        tpu.yield
      }) : () -> ()
      "tpu.region"() ({
        %run_scoped3A = tpu.sem_alloc : memref<!tpu.dma_semaphore, #tpu.memory_space<semaphore_mem>>
        %dma_start3A_219 = tpu.memref_slice %arg6[%mul3A_203] : memref<640000xi32, #tpu.memory_space<hbm>> -> memref<128xi32, #tpu.memory_space<hbm>>
        %dma_start3A_220 = tpu.memref_slice %arg6[%mul3A_203] : memref<640000xi32, #tpu.memory_space<hbm>> -> memref<128xi32, #tpu.memory_space<hbm>>
        tpu.enqueue_dma source(%dma_start3A_220 : memref<128xi32, #tpu.memory_space<hbm>>) target(%arg9 : memref<128xi32, #tpu.memory_space<vmem>>) target_semaphore(%run_scoped3A : memref<!tpu.dma_semaphore, #tpu.memory_space<semaphore_mem>>)
        %dma_wait3A_221 = tpu.memref_slice %arg6[%mul3A_203] : memref<640000xi32, #tpu.memory_space<hbm>> -> memref<128xi32, #tpu.memory_space<hbm>>
        %dma_wait3A_222 = tpu.memref_slice %arg6[%mul3A_203] : memref<640000xi32, #tpu.memory_space<hbm>> -> memref<128xi32, #tpu.memory_space<hbm>>
        tpu.wait_dma2 semaphore(%run_scoped3A : memref<!tpu.dma_semaphore, #tpu.memory_space<semaphore_mem>>) src(%dma_wait3A_222 : memref<128xi32, #tpu.memory_space<hbm>>) dst(%arg9 : memref<128xi32, #tpu.memory_space<vmem>>)
        tpu.yield
      }) : () -> ()
      %dma_start3A = arith.constant 0 : i32
      %dma_start3A_204 = arith.constant 0 : i32
      %dma_start3A_205 = tpu.memref_slice %arg2[%dma_start3A, %dma_start3A_204] : memref<10000x80xf32, #tpu.memory_space<hbm>> -> memref<10000x80xf32, #tpu.memory_space<hbm>>
      tpu.enqueue_indirect_dma source(%dma_start3A_205 : memref<10000x80xf32, #tpu.memory_space<hbm>>) target(%arg10 : memref<128x80xf32, #tpu.memory_space<vmem>>) offsets(%arg8 : memref<128xi32, #tpu.memory_space<vmem>>) semaphore(%arg16 : memref<!tpu.dma_semaphore, #tpu.memory_space<semaphore_mem>>)
      %dma_start3A_206 = arith.constant 0 : i32
      %dma_start3A_207 = arith.constant 0 : i32
      %dma_start3A_208 = tpu.memref_slice %arg3[%dma_start3A_206, %dma_start3A_207] : memref<10000x16xf32, #tpu.memory_space<hbm>> -> memref<10000x16xf32, #tpu.memory_space<hbm>>
      tpu.enqueue_indirect_dma source(%dma_start3A_208 : memref<10000x16xf32, #tpu.memory_space<hbm>>) target(%arg11 : memref<128x16xf32, #tpu.memory_space<vmem>>) offsets(%arg9 : memref<128xi32, #tpu.memory_space<vmem>>) semaphore(%arg17 : memref<!tpu.dma_semaphore, #tpu.memory_space<semaphore_mem>>)
      %dma_wait3A = arith.constant 0 : i32
      %dma_wait3A_209 = arith.constant 0 : i32
      %dma_wait3A_210 = tpu.memref_slice %arg2[%dma_wait3A, %dma_wait3A_209] : memref<10000x80xf32, #tpu.memory_space<hbm>> -> memref<10000x80xf32, #tpu.memory_space<hbm>>
      tpu.wait_indirect_dma semaphore(%arg16 : memref<!tpu.dma_semaphore, #tpu.memory_space<semaphore_mem>>) src(%dma_wait3A_210 : memref<10000x80xf32, #tpu.memory_space<hbm>>) dst(%arg10 : memref<128x80xf32, #tpu.memory_space<vmem>>)
      %dma_wait3A_211 = arith.constant 0 : i32
      %dma_wait3A_212 = arith.constant 0 : i32
      %dma_wait3A_213 = tpu.memref_slice %arg3[%dma_wait3A_211, %dma_wait3A_212] : memref<10000x16xf32, #tpu.memory_space<hbm>> -> memref<10000x16xf32, #tpu.memory_space<hbm>>
      tpu.wait_indirect_dma semaphore(%arg17 : memref<!tpu.dma_semaphore, #tpu.memory_space<semaphore_mem>>) src(%dma_wait3A_213 : memref<10000x16xf32, #tpu.memory_space<hbm>>) dst(%arg11 : memref<128x16xf32, #tpu.memory_space<vmem>>)
      %scan3A_214 = arith.constant 0 : i32
      %scan3A_215 = arith.constant 128 : i32
      %scan3A_216 = arith.addi %scan3A_214, %scan3A_215 : i32
      %scan3A_217 = arith.constant 1 : i32
      scf.for %scan3A_219 = %scan3A_214 to %scan3A_216 step %scan3A_217  : i32 {
        %mul3A_220 = arith.constant 1 : i32
        %mul3A_221 = arith.muli %scan3A_219, %mul3A_220 : i32
        %add3A_222 = arith.constant 0 : i32
        %add3A_223 = arith.addi %add3A_222, %mul3A_221 : i32
        %get3A_224 = arith.index_cast %add3A_223 : i32 to index
        %get3A_225 = arith.constant 0 : index
        %get3A_226 = tpu.vector_load %arg10[%get3A_224, %get3A_225] {strides = array<i32>} : memref<128x80xf32, #tpu.memory_space<vmem>>, vector<16xf32>,
        %get3A_227 = arith.index_cast %add3A_223 : i32 to index
        %get3A_228 = arith.constant 0 : index
        %get3A_229 = tpu.vector_load %arg11[%get3A_227, %get3A_228] {strides = array<i32>} : memref<128x16xf32, #tpu.memory_space<vmem>>, vector<16xf32>,
        %add3A_230 = arith.addf %get3A_226, %get3A_229 : vector<16xf32>
        %mul3A_231 = arith.constant 2.000000e-01 : f32
        %mul3A_232 = vector.broadcast %mul3A_231 : f32 to vector<16xf32>
        %mul3A_233 = arith.mulf %mul3A_232, %add3A_230 : vector<16xf32>
        %max3A = arith.maximumf %add3A_230, %mul3A_233 : vector<16xf32>
        %sub3A_234 = arith.subf %max3A, %get3A_20 : vector<16xf32>
        %exp3A = math.exp %sub3A_234 : vector<16xf32>
        %swap3A = arith.index_cast %add3A_223 : i32 to index
        %swap3A_235 = arith.constant 0 : index
        %swap3A_236 = tpu.vector_load %arg12[%swap3A, %swap3A_235] {strides = array<i32>} : memref<128x80xf32, #tpu.memory_space<vmem>>, vector<16xf32>,
        tpu.vector_store %arg12[%swap3A, %swap3A_235], %exp3A {strides = array<i32>} : memref<128x80xf32, #tpu.memory_space<vmem>>, vector<16xf32>,
        %get3A_237 = arith.index_cast %add3A_223 : i32 to index
        %get3A_238 = arith.constant 16 : index
        %get3A_239 = tpu.vector_load %arg10[%get3A_237, %get3A_238] {strides = array<i32>} : memref<128x80xf32, #tpu.memory_space<vmem>>, vector<16xf32>,
        %reshape3A = vector.shape_cast %select_n3A : vector<16xi32> to vector<16x1xi32>
        %gather3A = vector.shape_cast %reshape3A : vector<16x1xi32> to vector<16xi32>
        %gather3A_240 = tpu.dynamic_gather %exp3A[%gather3A] in [0] : vector<16xf32>, vector<16xi32> -> vector<16xf32>
        %mul3A_241 = arith.mulf %get3A_239, %gather3A_240 : vector<16xf32>
        %swap3A_242 = arith.index_cast %add3A_223 : i32 to index
        %swap3A_243 = arith.constant 16 : index
        %swap3A_244 = tpu.vector_load %arg12[%swap3A_242, %swap3A_243] {strides = array<i32>} : memref<128x80xf32, #tpu.memory_space<vmem>>, vector<16xf32>,
        tpu.vector_store %arg12[%swap3A_242, %swap3A_243], %mul3A_241 {strides = array<i32>} : memref<128x80xf32, #tpu.memory_space<vmem>>, vector<16xf32>,
        %get3A_245 = arith.index_cast %add3A_223 : i32 to index
        %get3A_246 = arith.constant 32 : index
        %get3A_247 = tpu.vector_load %arg10[%get3A_245, %get3A_246] {strides = array<i32>} : memref<128x80xf32, #tpu.memory_space<vmem>>, vector<16xf32>,
        %reshape3A_248 = vector.shape_cast %select_n3A_80 : vector<16xi32> to vector<16x1xi32>
        %gather3A_249 = vector.shape_cast %reshape3A_248 : vector<16x1xi32> to vector<16xi32>
        %gather3A_250 = tpu.dynamic_gather %exp3A[%gather3A_249] in [0] : vector<16xf32>, vector<16xi32> -> vector<16xf32>
        %mul3A_251 = arith.mulf %get3A_247, %gather3A_250 : vector<16xf32>
        %swap3A_252 = arith.index_cast %add3A_223 : i32 to index
        %swap3A_253 = arith.constant 32 : index
        %swap3A_254 = tpu.vector_load %arg12[%swap3A_252, %swap3A_253] {strides = array<i32>} : memref<128x80xf32, #tpu.memory_space<vmem>>, vector<16xf32>,
        tpu.vector_store %arg12[%swap3A_252, %swap3A_253], %mul3A_251 {strides = array<i32>} : memref<128x80xf32, #tpu.memory_space<vmem>>, vector<16xf32>,
        %get3A_255 = arith.index_cast %add3A_223 : i32 to index
        %get3A_256 = arith.constant 48 : index
        %get3A_257 = tpu.vector_load %arg10[%get3A_255, %get3A_256] {strides = array<i32>} : memref<128x80xf32, #tpu.memory_space<vmem>>, vector<16xf32>,
        %reshape3A_258 = vector.shape_cast %select_n3A_114 : vector<16xi32> to vector<16x1xi32>
        %gather3A_259 = vector.shape_cast %reshape3A_258 : vector<16x1xi32> to vector<16xi32>
        %gather3A_260 = tpu.dynamic_gather %exp3A[%gather3A_259] in [0] : vector<16xf32>, vector<16xi32> -> vector<16xf32>
        %mul3A_261 = arith.mulf %get3A_257, %gather3A_260 : vector<16xf32>
        %swap3A_262 = arith.index_cast %add3A_223 : i32 to index
        %swap3A_263 = arith.constant 48 : index
        %swap3A_264 = tpu.vector_load %arg12[%swap3A_262, %swap3A_263] {strides = array<i32>} : memref<128x80xf32, #tpu.memory_space<vmem>>, vector<16xf32>,
        tpu.vector_store %arg12[%swap3A_262, %swap3A_263], %mul3A_261 {strides = array<i32>} : memref<128x80xf32, #tpu.memory_space<vmem>>, vector<16xf32>,
        %get3A_265 = arith.index_cast %add3A_223 : i32 to index
        %get3A_266 = arith.constant 64 : index
        %get3A_267 = tpu.vector_load %arg10[%get3A_265, %get3A_266] {strides = array<i32>} : memref<128x80xf32, #tpu.memory_space<vmem>>, vector<16xf32>,
        %reshape3A_268 = vector.shape_cast %select_n3A_148 : vector<16xi32> to vector<16x1xi32>
        %gather3A_269 = vector.shape_cast %reshape3A_268 : vector<16x1xi32> to vector<16xi32>
        %gather3A_270 = tpu.dynamic_gather %exp3A[%gather3A_269] in [0] : vector<16xf32>, vector<16xi32> -> vector<16xf32>
        %mul3A_271 = arith.mulf %get3A_267, %gather3A_270 : vector<16xf32>
        %swap3A_272 = arith.index_cast %add3A_223 : i32 to index
        %swap3A_273 = arith.constant 64 : index
        %swap3A_274 = tpu.vector_load %arg12[%swap3A_272, %swap3A_273] {strides = array<i32>} : memref<128x80xf32, #tpu.memory_space<vmem>>, vector<16xf32>,
        tpu.vector_store %arg12[%swap3A_272, %swap3A_273], %mul3A_271 {strides = array<i32>} : memref<128x80xf32, #tpu.memory_space<vmem>>, vector<16xf32>,
      }
      %scan3A_218 = arith.constant 128 : i32
      "tpu.region"() ({
        %run_scoped3A = tpu.sem_alloc : memref<!tpu.dma_semaphore, #tpu.memory_space<semaphore_mem>>
        %dma_start3A_219 = arith.constant 0 : i32
        %dma_start3A_220 = arith.constant 0 : i32
        %dma_start3A_221 = tpu.memref_slice %arg15[%dma_start3A_219, %dma_start3A_220] : memref<10000x80xf32, #tpu.memory_space<vmem_shared>> -> memref<10000x80xf32, #tpu.memory_space<vmem_shared>>
        tpu.enqueue_indirect_dma source(%arg12 : memref<128x80xf32, #tpu.memory_space<vmem>>) target(%dma_start3A_221 : memref<10000x80xf32, #tpu.memory_space<vmem_shared>>) offsets(%arg9 : memref<128xi32, #tpu.memory_space<vmem>>) semaphore(%run_scoped3A : memref<!tpu.dma_semaphore, #tpu.memory_space<semaphore_mem>>) {add = true}
        %dma_wait3A_222 = arith.constant 0 : i32
        %dma_wait3A_223 = arith.constant 0 : i32
        %dma_wait3A_224 = tpu.memref_slice %arg15[%dma_wait3A_222, %dma_wait3A_223] : memref<10000x80xf32, #tpu.memory_space<vmem_shared>> -> memref<10000x80xf32, #tpu.memory_space<vmem_shared>>
        tpu.wait_indirect_dma semaphore(%run_scoped3A : memref<!tpu.dma_semaphore, #tpu.memory_space<semaphore_mem>>) src(%arg12 : memref<128x80xf32, #tpu.memory_space<vmem>>) dst(%dma_wait3A_224 : memref<10000x80xf32, #tpu.memory_space<vmem_shared>>)
        tpu.yield
      }) : () -> ()
    }
    %barrier3A_188 = arith.constant 0 : index
    tpu.barrier barrier_id(%barrier3A_188)
    %mul3A_189 = arith.constant 624 : i32
    %mul3A_190 = arith.muli %arg1, %mul3A_189 : i32
    %mul3A_191 = arith.constant 624 : i32
    %mul3A_192 = arith.muli %arg1, %mul3A_191 : i32
    "tpu.region"() ({
      %run_scoped3A = tpu.sem_alloc : memref<!tpu.dma_semaphore, #tpu.memory_space<semaphore_mem>>
      %dma_start3A = arith.constant 0 : i32
      %dma_start3A_198 = tpu.memref_slice %arg7[%arg0, %mul3A_192, %dma_start3A] : memref<2x10000x80xf32, #tpu.memory_space<hbm>> -> memref<1x624x80xf32, #tpu.memory_space<hbm>>
      %dma_start3A_199 = tpu.memref_squeeze %dma_start3A_198 : memref<1x624x80xf32, #tpu.memory_space<hbm>> -> memref<624x80xf32, #tpu.memory_space<hbm>>
      %dma_start3A_200 = arith.constant 0 : i32
      %dma_start3A_201 = tpu.memref_slice %arg15[%mul3A_190, %dma_start3A_200] : memref<10000x80xf32, #tpu.memory_space<vmem_shared>> -> memref<624x80xf32, #tpu.memory_space<vmem_shared>>
      tpu.enqueue_dma source(%dma_start3A_201 : memref<624x80xf32, #tpu.memory_space<vmem_shared>>) target(%dma_start3A_199 : memref<624x80xf32, #tpu.memory_space<hbm>>) target_semaphore(%run_scoped3A : memref<!tpu.dma_semaphore, #tpu.memory_space<semaphore_mem>>)
      %dma_wait3A = arith.constant 0 : i32
      %dma_wait3A_202 = tpu.memref_slice %arg7[%arg0, %mul3A_192, %dma_wait3A] : memref<2x10000x80xf32, #tpu.memory_space<hbm>> -> memref<1x624x80xf32, #tpu.memory_space<hbm>>
      %dma_wait3A_203 = tpu.memref_squeeze %dma_wait3A_202 : memref<1x624x80xf32, #tpu.memory_space<hbm>> -> memref<624x80xf32, #tpu.memory_space<hbm>>
      %dma_wait3A_204 = arith.constant 0 : i32
      %dma_wait3A_205 = tpu.memref_slice %arg15[%mul3A_190, %dma_wait3A_204] : memref<10000x80xf32, #tpu.memory_space<vmem_shared>> -> memref<624x80xf32, #tpu.memory_space<vmem_shared>>
      tpu.wait_dma2 semaphore(%run_scoped3A : memref<!tpu.dma_semaphore, #tpu.memory_space<semaphore_mem>>) src(%dma_wait3A_205 : memref<624x80xf32, #tpu.memory_space<vmem_shared>>) dst(%dma_wait3A_203 : memref<624x80xf32, #tpu.memory_space<hbm>>)
      tpu.yield
    }) : () -> ()
    %eq3A_193 = arith.constant 15 : i32
    %eq3A_194 = arith.cmpi eq, %arg1, %eq3A_193 : i32
    %convert_element_type3A_195 = arith.extui %eq3A_194 : i1 to i32
    %cond3A_196 = arith.constant 0 : i32
    %cond3A_197 = arith.cmpi ne, %convert_element_type3A_195, %cond3A_196 : i32
    scf.if %cond3A_197 {
      "tpu.region"() ({
        %run_scoped3A = tpu.sem_alloc : memref<!tpu.dma_semaphore, #tpu.memory_space<semaphore_mem>>
        %dma_start3A = arith.constant 9984 : i32
        %dma_start3A_198 = arith.constant 0 : i32
        %dma_start3A_199 = tpu.memref_slice %arg7[%arg0, %dma_start3A, %dma_start3A_198] : memref<2x10000x80xf32, #tpu.memory_space<hbm>> -> memref<1x16x80xf32, #tpu.memory_space<hbm>>
        %dma_start3A_200 = tpu.memref_squeeze %dma_start3A_199 : memref<1x16x80xf32, #tpu.memory_space<hbm>> -> memref<16x80xf32, #tpu.memory_space<hbm>>
        %dma_start3A_201 = arith.constant 9984 : i32
        %dma_start3A_202 = arith.constant 0 : i32
        %dma_start3A_203 = tpu.memref_slice %arg15[%dma_start3A_201, %dma_start3A_202] : memref<10000x80xf32, #tpu.memory_space<vmem_shared>> -> memref<16x80xf32, #tpu.memory_space<vmem_shared>>
        tpu.enqueue_dma source(%dma_start3A_203 : memref<16x80xf32, #tpu.memory_space<vmem_shared>>) target(%dma_start3A_200 : memref<16x80xf32, #tpu.memory_space<hbm>>) target_semaphore(%run_scoped3A : memref<!tpu.dma_semaphore, #tpu.memory_space<semaphore_mem>>)
        %dma_wait3A = arith.constant 9984 : i32
        %dma_wait3A_204 = arith.constant 0 : i32
        %dma_wait3A_205 = tpu.memref_slice %arg7[%arg0, %dma_wait3A, %dma_wait3A_204] : memref<2x10000x80xf32, #tpu.memory_space<hbm>> -> memref<1x16x80xf32, #tpu.memory_space<hbm>>
        %dma_wait3A_206 = tpu.memref_squeeze %dma_wait3A_205 : memref<1x16x80xf32, #tpu.memory_space<hbm>> -> memref<16x80xf32, #tpu.memory_space<hbm>>
        %dma_wait3A_207 = arith.constant 9984 : i32
        %dma_wait3A_208 = arith.constant 0 : i32
        %dma_wait3A_209 = tpu.memref_slice %arg15[%dma_wait3A_207, %dma_wait3A_208] : memref<10000x80xf32, #tpu.memory_space<vmem_shared>> -> memref<16x80xf32, #tpu.memory_space<vmem_shared>>
        tpu.wait_dma2 semaphore(%run_scoped3A : memref<!tpu.dma_semaphore, #tpu.memory_space<semaphore_mem>>) src(%dma_wait3A_209 : memref<16x80xf32, #tpu.memory_space<vmem_shared>>) dst(%dma_wait3A_206 : memref<16x80xf32, #tpu.memory_space<hbm>>)
        tpu.yield
      }) : () -> ()
    } else {
    }
    return
  }
}

#map = affine_map<(d0, d1) -> (0, 0)>
#map1 = affine_map<(d0, d1) -> (0)>
#map2 = affine_map<(d0, d1) -> (0, 0, 0)>
module attributes {stable_mosaic.version = 14 : i64} {
  func.func @ek(%arg0: i32, %arg1: i32, %arg2: memref<10000x80xf32, #tpu.memory_space<hbm>>, %arg3: memref<10000x16xf32, #tpu.memory_space<hbm>>, %arg4: memref<16xf32, #tpu.memory_space<hbm>>, %arg5: memref<640000xi32, #tpu.memory_space<hbm>>, %arg6: memref<640000xi32, #tpu.memory_space<hbm>>, %arg7: memref<2x10000x80xf32, #tpu.memory_space<hbm>>, %arg8: memref<128xi32, #tpu.memory_space<vmem>>, %arg9: memref<128xi32, #tpu.memory_space<vmem>>, %arg10: memref<128x80xf32, #tpu.memory_space<vmem>>, %arg11: memref<128x16xf32, #tpu.memory_space<vmem>>, %arg12: memref<128x80xf32, #tpu.memory_space<vmem>>, %arg13: memref<16xf32, #tpu.memory_space<vmem>>, %arg14: memref<208x80xf32, #tpu.memory_space<vmem>>, %arg15: memref<10000x80xf32, #tpu.memory_space<vmem_shared>>, %arg16: memref<!tpu.dma_semaphore, #tpu.memory_space<semaphore_mem>>, %arg17: memref<!tpu.dma_semaphore, #tpu.memory_space<semaphore_mem>>) attributes {dimension_semantics = [#tpu.dimension_semantics<core_parallel>, #tpu.dimension_semantics<subcore_parallel>], iteration_bounds = array<i64: 2, 16>, scalar_prefetch = 0 : i64, scratch_operands = 10 : i64, tpu.core_type = #tpu.core_type<sc_vector_subcore>, window_params = [{transform_indices = #map}, {transform_indices = #map}, {transform_indices = #map1}, {transform_indices = #map1}, {transform_indices = #map1}, {transform_indices = #map2}]} {
    %mul3A = arith.constant 2 : i32
    %mul3A_0 = arith.muli %arg1, %mul3A : i32
    %add3A = arith.addi %mul3A_0, %arg0 : i32
    %broadcast_in_dim3A = arith.constant 0.000000e+00 : f32
    %broadcast_in_dim3A_1 = vector.broadcast %broadcast_in_dim3A : f32 to vector<16xf32>
    %scan3A = arith.constant 0 : i32
    %scan3A_2 = arith.constant 208 : i32
    %scan3A_3 = arith.addi %scan3A, %scan3A_2 : i32
    %scan3A_4 = arith.constant 1 : i32
    scf.for %scan3A_198 = %scan3A to %scan3A_3 step %scan3A_4  : i32 {
      %mul3A_199 = arith.constant 1 : i32
      %mul3A_200 = arith.muli %scan3A_198, %mul3A_199 : i32
      %add3A_201 = arith.constant 0 : i32
      %add3A_202 = arith.addi %add3A_201, %mul3A_200 : i32
      %swap3A = arith.index_cast %add3A_202 : i32 to index
      %swap3A_203 = arith.constant 0 : index
      %swap3A_204 = tpu.vector_load %arg14[%swap3A, %swap3A_203] {strides = array<i32>} : memref<208x80xf32, #tpu.memory_space<vmem>>, vector<16xf32>,
      tpu.vector_store %arg14[%swap3A, %swap3A_203], %broadcast_in_dim3A_1 {strides = array<i32>} : memref<208x80xf32, #tpu.memory_space<vmem>>, vector<16xf32>,
      %swap3A_205 = arith.index_cast %add3A_202 : i32 to index
      %swap3A_206 = arith.constant 16 : index
      %swap3A_207 = tpu.vector_load %arg14[%swap3A_205, %swap3A_206] {strides = array<i32>} : memref<208x80xf32, #tpu.memory_space<vmem>>, vector<16xf32>,
      tpu.vector_store %arg14[%swap3A_205, %swap3A_206], %broadcast_in_dim3A_1 {strides = array<i32>} : memref<208x80xf32, #tpu.memory_space<vmem>>, vector<16xf32>,
      %swap3A_208 = arith.index_cast %add3A_202 : i32 to index
      %swap3A_209 = arith.constant 32 : index
      %swap3A_210 = tpu.vector_load %arg14[%swap3A_208, %swap3A_209] {strides = array<i32>} : memref<208x80xf32, #tpu.memory_space<vmem>>, vector<16xf32>,
      tpu.vector_store %arg14[%swap3A_208, %swap3A_209], %broadcast_in_dim3A_1 {strides = array<i32>} : memref<208x80xf32, #tpu.memory_space<vmem>>, vector<16xf32>,
      %swap3A_211 = arith.index_cast %add3A_202 : i32 to index
      %swap3A_212 = arith.constant 48 : index
      %swap3A_213 = tpu.vector_load %arg14[%swap3A_211, %swap3A_212] {strides = array<i32>} : memref<208x80xf32, #tpu.memory_space<vmem>>, vector<16xf32>,
      tpu.vector_store %arg14[%swap3A_211, %swap3A_212], %broadcast_in_dim3A_1 {strides = array<i32>} : memref<208x80xf32, #tpu.memory_space<vmem>>, vector<16xf32>,
      %swap3A_214 = arith.index_cast %add3A_202 : i32 to index
      %swap3A_215 = arith.constant 64 : index
      %swap3A_216 = tpu.vector_load %arg14[%swap3A_214, %swap3A_215] {strides = array<i32>} : memref<208x80xf32, #tpu.memory_space<vmem>>, vector<16xf32>,
      tpu.vector_store %arg14[%swap3A_214, %swap3A_215], %broadcast_in_dim3A_1 {strides = array<i32>} : memref<208x80xf32, #tpu.memory_space<vmem>>, vector<16xf32>,
    }
    %scan3A_5 = arith.constant 208 : i32
    %mul3A_6 = arith.constant 624 : i32
    %mul3A_7 = arith.muli %arg1, %mul3A_6 : i32
    %add3A_8 = arith.constant 0 : i32
    %add3A_9 = arith.addi %mul3A_7, %add3A_8 : i32
    "tpu.region"() ({
      %run_scoped3A = tpu.sem_alloc : memref<!tpu.dma_semaphore, #tpu.memory_space<semaphore_mem>>
      %dma_start3A = arith.constant 0 : i32
      %dma_start3A_198 = tpu.memref_slice %arg15[%add3A_9, %dma_start3A] : memref<10000x80xf32, #tpu.memory_space<vmem_shared>> -> memref<208x80xf32, #tpu.memory_space<vmem_shared>>
      %dma_start3A_199 = arith.constant 0 : i32
      %dma_start3A_200 = tpu.memref_slice %arg15[%add3A_9, %dma_start3A_199] : memref<10000x80xf32, #tpu.memory_space<vmem_shared>> -> memref<208x80xf32, #tpu.memory_space<vmem_shared>>
      tpu.enqueue_dma source(%arg14 : memref<208x80xf32, #tpu.memory_space<vmem>>) target(%dma_start3A_200 : memref<208x80xf32, #tpu.memory_space<vmem_shared>>) target_semaphore(%run_scoped3A : memref<!tpu.dma_semaphore, #tpu.memory_space<semaphore_mem>>)
      %dma_wait3A = arith.constant 0 : i32
      %dma_wait3A_201 = tpu.memref_slice %arg15[%add3A_9, %dma_wait3A] : memref<10000x80xf32, #tpu.memory_space<vmem_shared>> -> memref<208x80xf32, #tpu.memory_space<vmem_shared>>
      %dma_wait3A_202 = arith.constant 0 : i32
      %dma_wait3A_203 = tpu.memref_slice %arg15[%add3A_9, %dma_wait3A_202] : memref<10000x80xf32, #tpu.memory_space<vmem_shared>> -> memref<208x80xf32, #tpu.memory_space<vmem_shared>>
      tpu.wait_dma2 semaphore(%run_scoped3A : memref<!tpu.dma_semaphore, #tpu.memory_space<semaphore_mem>>) src(%arg14 : memref<208x80xf32, #tpu.memory_space<vmem>>) dst(%dma_wait3A_203 : memref<208x80xf32, #tpu.memory_space<vmem_shared>>)
      tpu.yield
    }) : () -> ()
    %mul3A_10 = arith.constant 624 : i32
    %mul3A_11 = arith.muli %arg1, %mul3A_10 : i32
    %add3A_12 = arith.constant 208 : i32
    %add3A_13 = arith.addi %mul3A_11, %add3A_12 : i32
    "tpu.region"() ({
      %run_scoped3A = tpu.sem_alloc : memref<!tpu.dma_semaphore, #tpu.memory_space<semaphore_mem>>
      %dma_start3A = arith.constant 0 : i32
      %dma_start3A_198 = tpu.memref_slice %arg15[%add3A_13, %dma_start3A] : memref<10000x80xf32, #tpu.memory_space<vmem_shared>> -> memref<208x80xf32, #tpu.memory_space<vmem_shared>>
      %dma_start3A_199 = arith.constant 0 : i32
      %dma_start3A_200 = tpu.memref_slice %arg15[%add3A_13, %dma_start3A_199] : memref<10000x80xf32, #tpu.memory_space<vmem_shared>> -> memref<208x80xf32, #tpu.memory_space<vmem_shared>>
      tpu.enqueue_dma source(%arg14 : memref<208x80xf32, #tpu.memory_space<vmem>>) target(%dma_start3A_200 : memref<208x80xf32, #tpu.memory_space<vmem_shared>>) target_semaphore(%run_scoped3A : memref<!tpu.dma_semaphore, #tpu.memory_space<semaphore_mem>>)
      %dma_wait3A = arith.constant 0 : i32
      %dma_wait3A_201 = tpu.memref_slice %arg15[%add3A_13, %dma_wait3A] : memref<10000x80xf32, #tpu.memory_space<vmem_shared>> -> memref<208x80xf32, #tpu.memory_space<vmem_shared>>
      %dma_wait3A_202 = arith.constant 0 : i32
      %dma_wait3A_203 = tpu.memref_slice %arg15[%add3A_13, %dma_wait3A_202] : memref<10000x80xf32, #tpu.memory_space<vmem_shared>> -> memref<208x80xf32, #tpu.memory_space<vmem_shared>>
      tpu.wait_dma2 semaphore(%run_scoped3A : memref<!tpu.dma_semaphore, #tpu.memory_space<semaphore_mem>>) src(%arg14 : memref<208x80xf32, #tpu.memory_space<vmem>>) dst(%dma_wait3A_203 : memref<208x80xf32, #tpu.memory_space<vmem_shared>>)
      tpu.yield
    }) : () -> ()
    %mul3A_14 = arith.constant 624 : i32
    %mul3A_15 = arith.muli %arg1, %mul3A_14 : i32
    %add3A_16 = arith.constant 416 : i32
    %add3A_17 = arith.addi %mul3A_15, %add3A_16 : i32
    "tpu.region"() ({
      %run_scoped3A = tpu.sem_alloc : memref<!tpu.dma_semaphore, #tpu.memory_space<semaphore_mem>>
      %dma_start3A = arith.constant 0 : i32
      %dma_start3A_198 = tpu.memref_slice %arg15[%add3A_17, %dma_start3A] : memref<10000x80xf32, #tpu.memory_space<vmem_shared>> -> memref<208x80xf32, #tpu.memory_space<vmem_shared>>
      %dma_start3A_199 = arith.constant 0 : i32
      %dma_start3A_200 = tpu.memref_slice %arg15[%add3A_17, %dma_start3A_199] : memref<10000x80xf32, #tpu.memory_space<vmem_shared>> -> memref<208x80xf32, #tpu.memory_space<vmem_shared>>
      tpu.enqueue_dma source(%arg14 : memref<208x80xf32, #tpu.memory_space<vmem>>) target(%dma_start3A_200 : memref<208x80xf32, #tpu.memory_space<vmem_shared>>) target_semaphore(%run_scoped3A : memref<!tpu.dma_semaphore, #tpu.memory_space<semaphore_mem>>)
      %dma_wait3A = arith.constant 0 : i32
      %dma_wait3A_201 = tpu.memref_slice %arg15[%add3A_17, %dma_wait3A] : memref<10000x80xf32, #tpu.memory_space<vmem_shared>> -> memref<208x80xf32, #tpu.memory_space<vmem_shared>>
      %dma_wait3A_202 = arith.constant 0 : i32
      %dma_wait3A_203 = tpu.memref_slice %arg15[%add3A_17, %dma_wait3A_202] : memref<10000x80xf32, #tpu.memory_space<vmem_shared>> -> memref<208x80xf32, #tpu.memory_space<vmem_shared>>
      tpu.wait_dma2 semaphore(%run_scoped3A : memref<!tpu.dma_semaphore, #tpu.memory_space<semaphore_mem>>) src(%arg14 : memref<208x80xf32, #tpu.memory_space<vmem>>) dst(%dma_wait3A_203 : memref<208x80xf32, #tpu.memory_space<vmem_shared>>)
      tpu.yield
    }) : () -> ()
    %eq3A = arith.constant 15 : i32
    %eq3A_18 = arith.cmpi eq, %arg1, %eq3A : i32
    %convert_element_type3A = arith.extui %eq3A_18 : i1 to i32
    %cond3A = arith.constant 0 : i32
    %cond3A_19 = arith.cmpi ne, %convert_element_type3A, %cond3A : i32
    scf.if %cond3A_19 {
      "tpu.region"() ({
        %run_scoped3A = tpu.sem_alloc : memref<!tpu.dma_semaphore, #tpu.memory_space<semaphore_mem>>
        %dma_start3A = arith.constant 0 : i32
        %dma_start3A_198 = arith.constant 0 : i32
        %dma_start3A_199 = tpu.memref_slice %arg14[%dma_start3A, %dma_start3A_198] : memref<208x80xf32, #tpu.memory_space<vmem>> -> memref<16x80xf32, #tpu.memory_space<vmem>>
        %dma_start3A_200 = arith.constant 9984 : i32
        %dma_start3A_201 = arith.constant 0 : i32
        %dma_start3A_202 = tpu.memref_slice %arg15[%dma_start3A_200, %dma_start3A_201] : memref<10000x80xf32, #tpu.memory_space<vmem_shared>> -> memref<16x80xf32, #tpu.memory_space<vmem_shared>>
        %dma_start3A_203 = arith.constant 9984 : i32
        %dma_start3A_204 = arith.constant 0 : i32
        %dma_start3A_205 = tpu.memref_slice %arg15[%dma_start3A_203, %dma_start3A_204] : memref<10000x80xf32, #tpu.memory_space<vmem_shared>> -> memref<16x80xf32, #tpu.memory_space<vmem_shared>>
        %dma_start3A_206 = arith.constant 0 : i32
        %dma_start3A_207 = arith.constant 0 : i32
        %dma_start3A_208 = tpu.memref_slice %arg14[%dma_start3A_206, %dma_start3A_207] : memref<208x80xf32, #tpu.memory_space<vmem>> -> memref<16x80xf32, #tpu.memory_space<vmem>>
        tpu.enqueue_dma source(%dma_start3A_208 : memref<16x80xf32, #tpu.memory_space<vmem>>) target(%dma_start3A_205 : memref<16x80xf32, #tpu.memory_space<vmem_shared>>) target_semaphore(%run_scoped3A : memref<!tpu.dma_semaphore, #tpu.memory_space<semaphore_mem>>)
        %dma_wait3A = arith.constant 0 : i32
        %dma_wait3A_209 = arith.constant 0 : i32
        %dma_wait3A_210 = tpu.memref_slice %arg14[%dma_wait3A, %dma_wait3A_209] : memref<208x80xf32, #tpu.memory_space<vmem>> -> memref<16x80xf32, #tpu.memory_space<vmem>>
        %dma_wait3A_211 = arith.constant 9984 : i32
        %dma_wait3A_212 = arith.constant 0 : i32
        %dma_wait3A_213 = tpu.memref_slice %arg15[%dma_wait3A_211, %dma_wait3A_212] : memref<10000x80xf32, #tpu.memory_space<vmem_shared>> -> memref<16x80xf32, #tpu.memory_space<vmem_shared>>
        %dma_wait3A_214 = arith.constant 9984 : i32
        %dma_wait3A_215 = arith.constant 0 : i32
        %dma_wait3A_216 = tpu.memref_slice %arg15[%dma_wait3A_214, %dma_wait3A_215] : memref<10000x80xf32, #tpu.memory_space<vmem_shared>> -> memref<16x80xf32, #tpu.memory_space<vmem_shared>>
        %dma_wait3A_217 = arith.constant 0 : i32
        %dma_wait3A_218 = arith.constant 0 : i32
        %dma_wait3A_219 = tpu.memref_slice %arg14[%dma_wait3A_217, %dma_wait3A_218] : memref<208x80xf32, #tpu.memory_space<vmem>> -> memref<16x80xf32, #tpu.memory_space<vmem>>
        tpu.wait_dma2 semaphore(%run_scoped3A : memref<!tpu.dma_semaphore, #tpu.memory_space<semaphore_mem>>) src(%dma_wait3A_219 : memref<16x80xf32, #tpu.memory_space<vmem>>) dst(%dma_wait3A_216 : memref<16x80xf32, #tpu.memory_space<vmem_shared>>)
        tpu.yield
      }) : () -> ()
    } else {
    }
    "tpu.region"() ({
      %run_scoped3A = tpu.sem_alloc : memref<!tpu.dma_semaphore, #tpu.memory_space<semaphore_mem>>
      tpu.enqueue_dma source(%arg4 : memref<16xf32, #tpu.memory_space<hbm>>) target(%arg13 : memref<16xf32, #tpu.memory_space<vmem>>) target_semaphore(%run_scoped3A : memref<!tpu.dma_semaphore, #tpu.memory_space<semaphore_mem>>)
      tpu.wait_dma2 semaphore(%run_scoped3A : memref<!tpu.dma_semaphore, #tpu.memory_space<semaphore_mem>>) src(%arg4 : memref<16xf32, #tpu.memory_space<hbm>>) dst(%arg13 : memref<16xf32, #tpu.memory_space<vmem>>)
      tpu.yield
    }) : () -> ()
    %barrier3A = arith.constant 0 : index
    tpu.barrier barrier_id(%barrier3A)
    %get3A = arith.constant 0 : index
    %get3A_20 = tpu.vector_load %arg13[%get3A] {strides = array<i32>} : memref<16xf32, #tpu.memory_space<vmem>>, vector<16xf32>,
    %iota3A = tpu.iota {dimensions = array<i32: 0>} : vector<16xi32>
    %add3A_21 = arith.constant 0 : i32
    %add3A_22 = vector.broadcast %add3A_21 : i32 to vector<16xi32>
    %add3A_23 = arith.addi %iota3A, %add3A_22 : vector<16xi32>
    %jit3A = arith.constant 7 : i32
    %div3A = vector.broadcast %jit3A : i32 to vector<16xi32>
    %div3A_24 = arith.divsi %add3A_23, %div3A : vector<16xi32>
    %sign3A = arith.constant 0 : i32
    %sign3A_25 = vector.broadcast %sign3A : i32 to vector<16xi32>
    %sign3A_26 = arith.cmpi sgt, %add3A_23, %sign3A_25 : vector<16xi32>
    %sign3A_27 = arith.extui %sign3A_26 : vector<16xi1> to vector<16xi32>
    %sign3A_28 = arith.constant 0 : i32
    %sign3A_29 = vector.broadcast %sign3A_28 : i32 to vector<16xi32>
    %sign3A_30 = arith.cmpi slt, %add3A_23, %sign3A_29 : vector<16xi32>
    %sign3A_31 = arith.extui %sign3A_30 : vector<16xi1> to vector<16xi32>
    %sign3A_32 = arith.subi %sign3A_27, %sign3A_31 : vector<16xi32>
    %sign3A_33 = arith.constant 0 : i32
    %sign3A_34 = arith.cmpi sgt, %jit3A, %sign3A_33 : i32
    %sign3A_35 = arith.extui %sign3A_34 : i1 to i32
    %sign3A_36 = arith.constant 0 : i32
    %sign3A_37 = arith.cmpi slt, %jit3A, %sign3A_36 : i32
    %sign3A_38 = arith.extui %sign3A_37 : i1 to i32
    %sign3A_39 = arith.subi %sign3A_35, %sign3A_38 : i32
    %ne3A = vector.broadcast %sign3A_39 : i32 to vector<16xi32>
    %ne3A_40 = arith.cmpi ne, %sign3A_32, %ne3A : vector<16xi32>
    %rem3A = vector.broadcast %jit3A : i32 to vector<16xi32>
    %rem3A_41 = arith.remsi %add3A_23, %rem3A : vector<16xi32>
    %ne3A_42 = arith.constant 0 : i32
    %ne3A_43 = vector.broadcast %ne3A_42 : i32 to vector<16xi32>
    %ne3A_44 = arith.cmpi ne, %rem3A_41, %ne3A_43 : vector<16xi32>
    %and3A = arith.andi %ne3A_40, %ne3A_44 : vector<16xi1>
    %sub3A = arith.constant 1 : i32
    %sub3A_45 = vector.broadcast %sub3A : i32 to vector<16xi32>
    %sub3A_46 = arith.subi %div3A_24, %sub3A_45 : vector<16xi32>
    %select_n3A = arith.select %and3A, %sub3A_46, %div3A_24 : vector<16xi1>, vector<16xi32>
    %add3A_47 = arith.constant 16 : i32
    %add3A_48 = vector.broadcast %add3A_47 : i32 to vector<16xi32>
    %add3A_49 = arith.addi %iota3A, %add3A_48 : vector<16xi32>
    %jit3A_50 = arith.constant 7 : i32
    %div3A_51 = vector.broadcast %jit3A_50 : i32 to vector<16xi32>
    %div3A_52 = arith.divsi %add3A_49, %div3A_51 : vector<16xi32>
    %sign3A_53 = arith.constant 0 : i32
    %sign3A_54 = vector.broadcast %sign3A_53 : i32 to vector<16xi32>
    %sign3A_55 = arith.cmpi sgt, %add3A_49, %sign3A_54 : vector<16xi32>
    %sign3A_56 = arith.extui %sign3A_55 : vector<16xi1> to vector<16xi32>
    %sign3A_57 = arith.constant 0 : i32
    %sign3A_58 = vector.broadcast %sign3A_57 : i32 to vector<16xi32>
    %sign3A_59 = arith.cmpi slt, %add3A_49, %sign3A_58 : vector<16xi32>
    %sign3A_60 = arith.extui %sign3A_59 : vector<16xi1> to vector<16xi32>
    %sign3A_61 = arith.subi %sign3A_56, %sign3A_60 : vector<16xi32>
    %sign3A_62 = arith.constant 0 : i32
    %sign3A_63 = arith.cmpi sgt, %jit3A_50, %sign3A_62 : i32
    %sign3A_64 = arith.extui %sign3A_63 : i1 to i32
    %sign3A_65 = arith.constant 0 : i32
    %sign3A_66 = arith.cmpi slt, %jit3A_50, %sign3A_65 : i32
    %sign3A_67 = arith.extui %sign3A_66 : i1 to i32
    %sign3A_68 = arith.subi %sign3A_64, %sign3A_67 : i32
    %ne3A_69 = vector.broadcast %sign3A_68 : i32 to vector<16xi32>
    %ne3A_70 = arith.cmpi ne, %sign3A_61, %ne3A_69 : vector<16xi32>
    %rem3A_71 = vector.broadcast %jit3A_50 : i32 to vector<16xi32>
    %rem3A_72 = arith.remsi %add3A_49, %rem3A_71 : vector<16xi32>
    %ne3A_73 = arith.constant 0 : i32
    %ne3A_74 = vector.broadcast %ne3A_73 : i32 to vector<16xi32>
    %ne3A_75 = arith.cmpi ne, %rem3A_72, %ne3A_74 : vector<16xi32>
    %and3A_76 = arith.andi %ne3A_70, %ne3A_75 : vector<16xi1>
    %sub3A_77 = arith.constant 1 : i32
    %sub3A_78 = vector.broadcast %sub3A_77 : i32 to vector<16xi32>
    %sub3A_79 = arith.subi %div3A_52, %sub3A_78 : vector<16xi32>
    %select_n3A_80 = arith.select %and3A_76, %sub3A_79, %div3A_52 : vector<16xi1>, vector<16xi32>
    %add3A_81 = arith.constant 32 : i32
    %add3A_82 = vector.broadcast %add3A_81 : i32 to vector<16xi32>
    %add3A_83 = arith.addi %iota3A, %add3A_82 : vector<16xi32>
    %jit3A_84 = arith.constant 7 : i32
    %div3A_85 = vector.broadcast %jit3A_84 : i32 to vector<16xi32>
    %div3A_86 = arith.divsi %add3A_83, %div3A_85 : vector<16xi32>
    %sign3A_87 = arith.constant 0 : i32
    %sign3A_88 = vector.broadcast %sign3A_87 : i32 to vector<16xi32>
    %sign3A_89 = arith.cmpi sgt, %add3A_83, %sign3A_88 : vector<16xi32>
    %sign3A_90 = arith.extui %sign3A_89 : vector<16xi1> to vector<16xi32>
    %sign3A_91 = arith.constant 0 : i32
    %sign3A_92 = vector.broadcast %sign3A_91 : i32 to vector<16xi32>
    %sign3A_93 = arith.cmpi slt, %add3A_83, %sign3A_92 : vector<16xi32>
    %sign3A_94 = arith.extui %sign3A_93 : vector<16xi1> to vector<16xi32>
    %sign3A_95 = arith.subi %sign3A_90, %sign3A_94 : vector<16xi32>
    %sign3A_96 = arith.constant 0 : i32
    %sign3A_97 = arith.cmpi sgt, %jit3A_84, %sign3A_96 : i32
    %sign3A_98 = arith.extui %sign3A_97 : i1 to i32
    %sign3A_99 = arith.constant 0 : i32
    %sign3A_100 = arith.cmpi slt, %jit3A_84, %sign3A_99 : i32
    %sign3A_101 = arith.extui %sign3A_100 : i1 to i32
    %sign3A_102 = arith.subi %sign3A_98, %sign3A_101 : i32
    %ne3A_103 = vector.broadcast %sign3A_102 : i32 to vector<16xi32>
    %ne3A_104 = arith.cmpi ne, %sign3A_95, %ne3A_103 : vector<16xi32>
    %rem3A_105 = vector.broadcast %jit3A_84 : i32 to vector<16xi32>
    %rem3A_106 = arith.remsi %add3A_83, %rem3A_105 : vector<16xi32>
    %ne3A_107 = arith.constant 0 : i32
    %ne3A_108 = vector.broadcast %ne3A_107 : i32 to vector<16xi32>
    %ne3A_109 = arith.cmpi ne, %rem3A_106, %ne3A_108 : vector<16xi32>
    %and3A_110 = arith.andi %ne3A_104, %ne3A_109 : vector<16xi1>
    %sub3A_111 = arith.constant 1 : i32
    %sub3A_112 = vector.broadcast %sub3A_111 : i32 to vector<16xi32>
    %sub3A_113 = arith.subi %div3A_86, %sub3A_112 : vector<16xi32>
    %select_n3A_114 = arith.select %and3A_110, %sub3A_113, %div3A_86 : vector<16xi1>, vector<16xi32>
    %add3A_115 = arith.constant 48 : i32
    %add3A_116 = vector.broadcast %add3A_115 : i32 to vector<16xi32>
    %add3A_117 = arith.addi %iota3A, %add3A_116 : vector<16xi32>
    %jit3A_118 = arith.constant 7 : i32
    %div3A_119 = vector.broadcast %jit3A_118 : i32 to vector<16xi32>
    %div3A_120 = arith.divsi %add3A_117, %div3A_119 : vector<16xi32>
    %sign3A_121 = arith.constant 0 : i32
    %sign3A_122 = vector.broadcast %sign3A_121 : i32 to vector<16xi32>
    %sign3A_123 = arith.cmpi sgt, %add3A_117, %sign3A_122 : vector<16xi32>
    %sign3A_124 = arith.extui %sign3A_123 : vector<16xi1> to vector<16xi32>
    %sign3A_125 = arith.constant 0 : i32
    %sign3A_126 = vector.broadcast %sign3A_125 : i32 to vector<16xi32>
    %sign3A_127 = arith.cmpi slt, %add3A_117, %sign3A_126 : vector<16xi32>
    %sign3A_128 = arith.extui %sign3A_127 : vector<16xi1> to vector<16xi32>
    %sign3A_129 = arith.subi %sign3A_124, %sign3A_128 : vector<16xi32>
    %sign3A_130 = arith.constant 0 : i32
    %sign3A_131 = arith.cmpi sgt, %jit3A_118, %sign3A_130 : i32
    %sign3A_132 = arith.extui %sign3A_131 : i1 to i32
    %sign3A_133 = arith.constant 0 : i32
    %sign3A_134 = arith.cmpi slt, %jit3A_118, %sign3A_133 : i32
    %sign3A_135 = arith.extui %sign3A_134 : i1 to i32
    %sign3A_136 = arith.subi %sign3A_132, %sign3A_135 : i32
    %ne3A_137 = vector.broadcast %sign3A_136 : i32 to vector<16xi32>
    %ne3A_138 = arith.cmpi ne, %sign3A_129, %ne3A_137 : vector<16xi32>
    %rem3A_139 = vector.broadcast %jit3A_118 : i32 to vector<16xi32>
    %rem3A_140 = arith.remsi %add3A_117, %rem3A_139 : vector<16xi32>
    %ne3A_141 = arith.constant 0 : i32
    %ne3A_142 = vector.broadcast %ne3A_141 : i32 to vector<16xi32>
    %ne3A_143 = arith.cmpi ne, %rem3A_140, %ne3A_142 : vector<16xi32>
    %and3A_144 = arith.andi %ne3A_138, %ne3A_143 : vector<16xi1>
    %sub3A_145 = arith.constant 1 : i32
    %sub3A_146 = vector.broadcast %sub3A_145 : i32 to vector<16xi32>
    %sub3A_147 = arith.subi %div3A_120, %sub3A_146 : vector<16xi32>
    %select_n3A_148 = arith.select %and3A_144, %sub3A_147, %div3A_120 : vector<16xi1>, vector<16xi32>
    %sub3A_149 = arith.constant 5000 : i32
    %sub3A_150 = arith.subi %sub3A_149, %add3A : i32
    %add3A_151 = arith.constant 32 : i32
    %add3A_152 = arith.addi %sub3A_150, %add3A_151 : i32
    %sub3A_153 = arith.constant 1 : i32
    %sub3A_154 = arith.subi %add3A_152, %sub3A_153 : i32
    %jit3A_155 = arith.constant 32 : i32
    %div3A_156 = arith.divsi %sub3A_154, %jit3A_155 : i32
    %sign3A_157 = arith.constant 0 : i32
    %sign3A_158 = arith.cmpi sgt, %sub3A_154, %sign3A_157 : i32
    %sign3A_159 = arith.extui %sign3A_158 : i1 to i32
    %sign3A_160 = arith.constant 0 : i32
    %sign3A_161 = arith.cmpi slt, %sub3A_154, %sign3A_160 : i32
    %sign3A_162 = arith.extui %sign3A_161 : i1 to i32
    %sign3A_163 = arith.subi %sign3A_159, %sign3A_162 : i32
    %sign3A_164 = arith.constant 0 : i32
    %sign3A_165 = arith.cmpi sgt, %jit3A_155, %sign3A_164 : i32
    %sign3A_166 = arith.extui %sign3A_165 : i1 to i32
    %sign3A_167 = arith.constant 0 : i32
    %sign3A_168 = arith.cmpi slt, %jit3A_155, %sign3A_167 : i32
    %sign3A_169 = arith.extui %sign3A_168 : i1 to i32
    %sign3A_170 = arith.subi %sign3A_166, %sign3A_169 : i32
    %ne3A_171 = arith.cmpi ne, %sign3A_163, %sign3A_170 : i32
    %rem3A_172 = arith.remsi %sub3A_154, %jit3A_155 : i32
    %ne3A_173 = arith.constant 0 : i32
    %ne3A_174 = arith.cmpi ne, %rem3A_172, %ne3A_173 : i32
    %and3A_175 = arith.andi %ne3A_171, %ne3A_174 : i1
    %sub3A_176 = arith.constant 1 : i32
    %sub3A_177 = arith.subi %div3A_156, %sub3A_176 : i32
    %select_n3A_178 = arith.select %and3A_175, %sub3A_177, %div3A_156 : i32
    %while3A = arith.constant 0 : i32
    %while3A_179 = arith.constant 0 : i32
    %while3A_180 = arith.subi %select_n3A_178, %while3A_179 : i32
    %while3A_181 = arith.addi %while3A_179, %while3A_180 : i32
    %while3A_182 = arith.constant 1 : i32
    %while3A_183 = arith.divsi %while3A_180, %while3A_182 : i32
    %while3A_184 = arith.muli %while3A_183, %while3A_182 : i32
    %while3A_185 = arith.addi %while3A_179, %while3A_184 : i32
    %while3A_186 = arith.constant 1 : i32
    scf.for %while3A_198 = %while3A_179 to %while3A_185 step %while3A_186  : i32 {
      %mul3A_199 = arith.constant 32 : i32
      %mul3A_200 = arith.muli %while3A_198, %mul3A_199 : i32
      %add3A_201 = arith.addi %add3A, %mul3A_200 : i32
      %mul3A_202 = arith.constant 128 : i32
      %mul3A_203 = arith.muli %add3A_201, %mul3A_202 : i32
      "tpu.region"() ({
        %run_scoped3A = tpu.sem_alloc : memref<!tpu.dma_semaphore, #tpu.memory_space<semaphore_mem>>
        %dma_start3A_219 = tpu.memref_slice %arg5[%mul3A_203] : memref<640000xi32, #tpu.memory_space<hbm>> -> memref<128xi32, #tpu.memory_space<hbm>>
        %dma_start3A_220 = tpu.memref_slice %arg5[%mul3A_203] : memref<640000xi32, #tpu.memory_space<hbm>> -> memref<128xi32, #tpu.memory_space<hbm>>
        tpu.enqueue_dma source(%dma_start3A_220 : memref<128xi32, #tpu.memory_space<hbm>>) target(%arg8 : memref<128xi32, #tpu.memory_space<vmem>>) target_semaphore(%run_scoped3A : memref<!tpu.dma_semaphore, #tpu.memory_space<semaphore_mem>>)
        %dma_wait3A_221 = tpu.memref_slice %arg5[%mul3A_203] : memref<640000xi32, #tpu.memory_space<hbm>> -> memref<128xi32, #tpu.memory_space<hbm>>
        %dma_wait3A_222 = tpu.memref_slice %arg5[%mul3A_203] : memref<640000xi32, #tpu.memory_space<hbm>> -> memref<128xi32, #tpu.memory_space<hbm>>
        tpu.wait_dma2 semaphore(%run_scoped3A : memref<!tpu.dma_semaphore, #tpu.memory_space<semaphore_mem>>) src(%dma_wait3A_222 : memref<128xi32, #tpu.memory_space<hbm>>) dst(%arg8 : memref<128xi32, #tpu.memory_space<vmem>>)
        tpu.yield
      }) : () -> ()
      "tpu.region"() ({
        %run_scoped3A = tpu.sem_alloc : memref<!tpu.dma_semaphore, #tpu.memory_space<semaphore_mem>>
        %dma_start3A_219 = tpu.memref_slice %arg6[%mul3A_203] : memref<640000xi32, #tpu.memory_space<hbm>> -> memref<128xi32, #tpu.memory_space<hbm>>
        %dma_start3A_220 = tpu.memref_slice %arg6[%mul3A_203] : memref<640000xi32, #tpu.memory_space<hbm>> -> memref<128xi32, #tpu.memory_space<hbm>>
        tpu.enqueue_dma source(%dma_start3A_220 : memref<128xi32, #tpu.memory_space<hbm>>) target(%arg9 : memref<128xi32, #tpu.memory_space<vmem>>) target_semaphore(%run_scoped3A : memref<!tpu.dma_semaphore, #tpu.memory_space<semaphore_mem>>)
        %dma_wait3A_221 = tpu.memref_slice %arg6[%mul3A_203] : memref<640000xi32, #tpu.memory_space<hbm>> -> memref<128xi32, #tpu.memory_space<hbm>>
        %dma_wait3A_222 = tpu.memref_slice %arg6[%mul3A_203] : memref<640000xi32, #tpu.memory_space<hbm>> -> memref<128xi32, #tpu.memory_space<hbm>>
        tpu.wait_dma2 semaphore(%run_scoped3A : memref<!tpu.dma_semaphore, #tpu.memory_space<semaphore_mem>>) src(%dma_wait3A_222 : memref<128xi32, #tpu.memory_space<hbm>>) dst(%arg9 : memref<128xi32, #tpu.memory_space<vmem>>)
        tpu.yield
      }) : () -> ()
      %dma_start3A = arith.constant 0 : i32
      %dma_start3A_204 = arith.constant 0 : i32
      %dma_start3A_205 = tpu.memref_slice %arg2[%dma_start3A, %dma_start3A_204] : memref<10000x80xf32, #tpu.memory_space<hbm>> -> memref<10000x80xf32, #tpu.memory_space<hbm>>
      tpu.enqueue_indirect_dma source(%dma_start3A_205 : memref<10000x80xf32, #tpu.memory_space<hbm>>) target(%arg10 : memref<128x80xf32, #tpu.memory_space<vmem>>) offsets(%arg8 : memref<128xi32, #tpu.memory_space<vmem>>) semaphore(%arg16 : memref<!tpu.dma_semaphore, #tpu.memory_space<semaphore_mem>>)
      %dma_start3A_206 = arith.constant 0 : i32
      %dma_start3A_207 = arith.constant 0 : i32
      %dma_start3A_208 = tpu.memref_slice %arg3[%dma_start3A_206, %dma_start3A_207] : memref<10000x16xf32, #tpu.memory_space<hbm>> -> memref<10000x16xf32, #tpu.memory_space<hbm>>
      tpu.enqueue_indirect_dma source(%dma_start3A_208 : memref<10000x16xf32, #tpu.memory_space<hbm>>) target(%arg11 : memref<128x16xf32, #tpu.memory_space<vmem>>) offsets(%arg9 : memref<128xi32, #tpu.memory_space<vmem>>) semaphore(%arg17 : memref<!tpu.dma_semaphore, #tpu.memory_space<semaphore_mem>>)
      %dma_wait3A = arith.constant 0 : i32
      %dma_wait3A_209 = arith.constant 0 : i32
      %dma_wait3A_210 = tpu.memref_slice %arg2[%dma_wait3A, %dma_wait3A_209] : memref<10000x80xf32, #tpu.memory_space<hbm>> -> memref<10000x80xf32, #tpu.memory_space<hbm>>
      tpu.wait_indirect_dma semaphore(%arg16 : memref<!tpu.dma_semaphore, #tpu.memory_space<semaphore_mem>>) src(%dma_wait3A_210 : memref<10000x80xf32, #tpu.memory_space<hbm>>) dst(%arg10 : memref<128x80xf32, #tpu.memory_space<vmem>>)
      %dma_wait3A_211 = arith.constant 0 : i32
      %dma_wait3A_212 = arith.constant 0 : i32
      %dma_wait3A_213 = tpu.memref_slice %arg3[%dma_wait3A_211, %dma_wait3A_212] : memref<10000x16xf32, #tpu.memory_space<hbm>> -> memref<10000x16xf32, #tpu.memory_space<hbm>>
      tpu.wait_indirect_dma semaphore(%arg17 : memref<!tpu.dma_semaphore, #tpu.memory_space<semaphore_mem>>) src(%dma_wait3A_213 : memref<10000x16xf32, #tpu.memory_space<hbm>>) dst(%arg11 : memref<128x16xf32, #tpu.memory_space<vmem>>)
      %scan3A_214 = arith.constant 0 : i32
      %scan3A_215 = arith.constant 128 : i32
      %scan3A_216 = arith.addi %scan3A_214, %scan3A_215 : i32
      %scan3A_217 = arith.constant 1 : i32
      scf.for %scan3A_219 = %scan3A_214 to %scan3A_216 step %scan3A_217  : i32 {
        %mul3A_220 = arith.constant 1 : i32
        %mul3A_221 = arith.muli %scan3A_219, %mul3A_220 : i32
        %add3A_222 = arith.constant 0 : i32
        %add3A_223 = arith.addi %add3A_222, %mul3A_221 : i32
        %get3A_224 = arith.index_cast %add3A_223 : i32 to index
        %get3A_225 = arith.constant 0 : index
        %get3A_226 = tpu.vector_load %arg10[%get3A_224, %get3A_225] {strides = array<i32>} : memref<128x80xf32, #tpu.memory_space<vmem>>, vector<16xf32>,
        %get3A_227 = arith.index_cast %add3A_223 : i32 to index
        %get3A_228 = arith.constant 0 : index
        %get3A_229 = tpu.vector_load %arg11[%get3A_227, %get3A_228] {strides = array<i32>} : memref<128x16xf32, #tpu.memory_space<vmem>>, vector<16xf32>,
        %add3A_230 = arith.addf %get3A_226, %get3A_229 : vector<16xf32>
        %mul3A_231 = arith.constant 2.000000e-01 : f32
        %mul3A_232 = vector.broadcast %mul3A_231 : f32 to vector<16xf32>
        %mul3A_233 = arith.mulf %mul3A_232, %add3A_230 : vector<16xf32>
        %max3A = arith.maximumf %add3A_230, %mul3A_233 : vector<16xf32>
        %sub3A_234 = arith.subf %max3A, %get3A_20 : vector<16xf32>
        %exp3A = math.exp %sub3A_234 : vector<16xf32>
        %swap3A = arith.index_cast %add3A_223 : i32 to index
        %swap3A_235 = arith.constant 0 : index
        %swap3A_236 = tpu.vector_load %arg12[%swap3A, %swap3A_235] {strides = array<i32>} : memref<128x80xf32, #tpu.memory_space<vmem>>, vector<16xf32>,
        tpu.vector_store %arg12[%swap3A, %swap3A_235], %exp3A {strides = array<i32>} : memref<128x80xf32, #tpu.memory_space<vmem>>, vector<16xf32>,
        %get3A_237 = arith.index_cast %add3A_223 : i32 to index
        %get3A_238 = arith.constant 16 : index
        %get3A_239 = tpu.vector_load %arg10[%get3A_237, %get3A_238] {strides = array<i32>} : memref<128x80xf32, #tpu.memory_space<vmem>>, vector<16xf32>,
        %reshape3A = vector.shape_cast %select_n3A : vector<16xi32> to vector<16x1xi32>
        %gather3A = vector.shape_cast %reshape3A : vector<16x1xi32> to vector<16xi32>
        %gather3A_240 = tpu.dynamic_gather %exp3A[%gather3A] in [0] : vector<16xf32>, vector<16xi32> -> vector<16xf32>
        %mul3A_241 = arith.mulf %get3A_239, %gather3A_240 : vector<16xf32>
        %swap3A_242 = arith.index_cast %add3A_223 : i32 to index
        %swap3A_243 = arith.constant 16 : index
        %swap3A_244 = tpu.vector_load %arg12[%swap3A_242, %swap3A_243] {strides = array<i32>} : memref<128x80xf32, #tpu.memory_space<vmem>>, vector<16xf32>,
        tpu.vector_store %arg12[%swap3A_242, %swap3A_243], %mul3A_241 {strides = array<i32>} : memref<128x80xf32, #tpu.memory_space<vmem>>, vector<16xf32>,
        %get3A_245 = arith.index_cast %add3A_223 : i32 to index
        %get3A_246 = arith.constant 32 : index
        %get3A_247 = tpu.vector_load %arg10[%get3A_245, %get3A_246] {strides = array<i32>} : memref<128x80xf32, #tpu.memory_space<vmem>>, vector<16xf32>,
        %reshape3A_248 = vector.shape_cast %select_n3A_80 : vector<16xi32> to vector<16x1xi32>
        %gather3A_249 = vector.shape_cast %reshape3A_248 : vector<16x1xi32> to vector<16xi32>
        %gather3A_250 = tpu.dynamic_gather %exp3A[%gather3A_249] in [0] : vector<16xf32>, vector<16xi32> -> vector<16xf32>
        %mul3A_251 = arith.mulf %get3A_247, %gather3A_250 : vector<16xf32>
        %swap3A_252 = arith.index_cast %add3A_223 : i32 to index
        %swap3A_253 = arith.constant 32 : index
        %swap3A_254 = tpu.vector_load %arg12[%swap3A_252, %swap3A_253] {strides = array<i32>} : memref<128x80xf32, #tpu.memory_space<vmem>>, vector<16xf32>,
        tpu.vector_store %arg12[%swap3A_252, %swap3A_253], %mul3A_251 {strides = array<i32>} : memref<128x80xf32, #tpu.memory_space<vmem>>, vector<16xf32>,
        %get3A_255 = arith.index_cast %add3A_223 : i32 to index
        %get3A_256 = arith.constant 48 : index
        %get3A_257 = tpu.vector_load %arg10[%get3A_255, %get3A_256] {strides = array<i32>} : memref<128x80xf32, #tpu.memory_space<vmem>>, vector<16xf32>,
        %reshape3A_258 = vector.shape_cast %select_n3A_114 : vector<16xi32> to vector<16x1xi32>
        %gather3A_259 = vector.shape_cast %reshape3A_258 : vector<16x1xi32> to vector<16xi32>
        %gather3A_260 = tpu.dynamic_gather %exp3A[%gather3A_259] in [0] : vector<16xf32>, vector<16xi32> -> vector<16xf32>
        %mul3A_261 = arith.mulf %get3A_257, %gather3A_260 : vector<16xf32>
        %swap3A_262 = arith.index_cast %add3A_223 : i32 to index
        %swap3A_263 = arith.constant 48 : index
        %swap3A_264 = tpu.vector_load %arg12[%swap3A_262, %swap3A_263] {strides = array<i32>} : memref<128x80xf32, #tpu.memory_space<vmem>>, vector<16xf32>,
        tpu.vector_store %arg12[%swap3A_262, %swap3A_263], %mul3A_261 {strides = array<i32>} : memref<128x80xf32, #tpu.memory_space<vmem>>, vector<16xf32>,
        %get3A_265 = arith.index_cast %add3A_223 : i32 to index
        %get3A_266 = arith.constant 64 : index
        %get3A_267 = tpu.vector_load %arg10[%get3A_265, %get3A_266] {strides = array<i32>} : memref<128x80xf32, #tpu.memory_space<vmem>>, vector<16xf32>,
        %reshape3A_268 = vector.shape_cast %select_n3A_148 : vector<16xi32> to vector<16x1xi32>
        %gather3A_269 = vector.shape_cast %reshape3A_268 : vector<16x1xi32> to vector<16xi32>
        %gather3A_270 = tpu.dynamic_gather %exp3A[%gather3A_269] in [0] : vector<16xf32>, vector<16xi32> -> vector<16xf32>
        %mul3A_271 = arith.mulf %get3A_267, %gather3A_270 : vector<16xf32>
        %swap3A_272 = arith.index_cast %add3A_223 : i32 to index
        %swap3A_273 = arith.constant 64 : index
        %swap3A_274 = tpu.vector_load %arg12[%swap3A_272, %swap3A_273] {strides = array<i32>} : memref<128x80xf32, #tpu.memory_space<vmem>>, vector<16xf32>,
        tpu.vector_store %arg12[%swap3A_272, %swap3A_273], %mul3A_271 {strides = array<i32>} : memref<128x80xf32, #tpu.memory_space<vmem>>, vector<16xf32>,
      }
      %scan3A_218 = arith.constant 128 : i32
      "tpu.region"() ({
        %run_scoped3A = tpu.sem_alloc : memref<!tpu.dma_semaphore, #tpu.memory_space<semaphore_mem>>
        %dma_start3A_219 = arith.constant 0 : i32
        %dma_start3A_220 = arith.constant 0 : i32
        %dma_start3A_221 = tpu.memref_slice %arg15[%dma_start3A_219, %dma_start3A_220] : memref<10000x80xf32, #tpu.memory_space<vmem_shared>> -> memref<10000x80xf32, #tpu.memory_space<vmem_shared>>
        tpu.enqueue_indirect_dma source(%arg12 : memref<128x80xf32, #tpu.memory_space<vmem>>) target(%dma_start3A_221 : memref<10000x80xf32, #tpu.memory_space<vmem_shared>>) offsets(%arg9 : memref<128xi32, #tpu.memory_space<vmem>>) semaphore(%run_scoped3A : memref<!tpu.dma_semaphore, #tpu.memory_space<semaphore_mem>>) {add = true}
        %dma_wait3A_222 = arith.constant 0 : i32
        %dma_wait3A_223 = arith.constant 0 : i32
        %dma_wait3A_224 = tpu.memref_slice %arg15[%dma_wait3A_222, %dma_wait3A_223] : memref<10000x80xf32, #tpu.memory_space<vmem_shared>> -> memref<10000x80xf32, #tpu.memory_space<vmem_shared>>
        tpu.wait_indirect_dma semaphore(%run_scoped3A : memref<!tpu.dma_semaphore, #tpu.memory_space<semaphore_mem>>) src(%arg12 : memref<128x80xf32, #tpu.memory_space<vmem>>) dst(%dma_wait3A_224 : memref<10000x80xf32, #tpu.memory_space<vmem_shared>>)
        tpu.yield
      }) : () -> ()
    }
    %while3A_187 = arith.constant 1 : i32
    scf.for %while3A_198 = %while3A_185 to %while3A_181 step %while3A_187  : i32 {
      %mul3A_199 = arith.constant 32 : i32
      %mul3A_200 = arith.muli %while3A_198, %mul3A_199 : i32
      %add3A_201 = arith.addi %add3A, %mul3A_200 : i32
      %mul3A_202 = arith.constant 128 : i32
      %mul3A_203 = arith.muli %add3A_201, %mul3A_202 : i32
      "tpu.region"() ({
        %run_scoped3A = tpu.sem_alloc : memref<!tpu.dma_semaphore, #tpu.memory_space<semaphore_mem>>
        %dma_start3A_219 = tpu.memref_slice %arg5[%mul3A_203] : memref<640000xi32, #tpu.memory_space<hbm>> -> memref<128xi32, #tpu.memory_space<hbm>>
        %dma_start3A_220 = tpu.memref_slice %arg5[%mul3A_203] : memref<640000xi32, #tpu.memory_space<hbm>> -> memref<128xi32, #tpu.memory_space<hbm>>
        tpu.enqueue_dma source(%dma_start3A_220 : memref<128xi32, #tpu.memory_space<hbm>>) target(%arg8 : memref<128xi32, #tpu.memory_space<vmem>>) target_semaphore(%run_scoped3A : memref<!tpu.dma_semaphore, #tpu.memory_space<semaphore_mem>>)
        %dma_wait3A_221 = tpu.memref_slice %arg5[%mul3A_203] : memref<640000xi32, #tpu.memory_space<hbm>> -> memref<128xi32, #tpu.memory_space<hbm>>
        %dma_wait3A_222 = tpu.memref_slice %arg5[%mul3A_203] : memref<640000xi32, #tpu.memory_space<hbm>> -> memref<128xi32, #tpu.memory_space<hbm>>
        tpu.wait_dma2 semaphore(%run_scoped3A : memref<!tpu.dma_semaphore, #tpu.memory_space<semaphore_mem>>) src(%dma_wait3A_222 : memref<128xi32, #tpu.memory_space<hbm>>) dst(%arg8 : memref<128xi32, #tpu.memory_space<vmem>>)
        tpu.yield
      }) : () -> ()
      "tpu.region"() ({
        %run_scoped3A = tpu.sem_alloc : memref<!tpu.dma_semaphore, #tpu.memory_space<semaphore_mem>>
        %dma_start3A_219 = tpu.memref_slice %arg6[%mul3A_203] : memref<640000xi32, #tpu.memory_space<hbm>> -> memref<128xi32, #tpu.memory_space<hbm>>
        %dma_start3A_220 = tpu.memref_slice %arg6[%mul3A_203] : memref<640000xi32, #tpu.memory_space<hbm>> -> memref<128xi32, #tpu.memory_space<hbm>>
        tpu.enqueue_dma source(%dma_start3A_220 : memref<128xi32, #tpu.memory_space<hbm>>) target(%arg9 : memref<128xi32, #tpu.memory_space<vmem>>) target_semaphore(%run_scoped3A : memref<!tpu.dma_semaphore, #tpu.memory_space<semaphore_mem>>)
        %dma_wait3A_221 = tpu.memref_slice %arg6[%mul3A_203] : memref<640000xi32, #tpu.memory_space<hbm>> -> memref<128xi32, #tpu.memory_space<hbm>>
        %dma_wait3A_222 = tpu.memref_slice %arg6[%mul3A_203] : memref<640000xi32, #tpu.memory_space<hbm>> -> memref<128xi32, #tpu.memory_space<hbm>>
        tpu.wait_dma2 semaphore(%run_scoped3A : memref<!tpu.dma_semaphore, #tpu.memory_space<semaphore_mem>>) src(%dma_wait3A_222 : memref<128xi32, #tpu.memory_space<hbm>>) dst(%arg9 : memref<128xi32, #tpu.memory_space<vmem>>)
        tpu.yield
      }) : () -> ()
      %dma_start3A = arith.constant 0 : i32
      %dma_start3A_204 = arith.constant 0 : i32
      %dma_start3A_205 = tpu.memref_slice %arg2[%dma_start3A, %dma_start3A_204] : memref<10000x80xf32, #tpu.memory_space<hbm>> -> memref<10000x80xf32, #tpu.memory_space<hbm>>
      tpu.enqueue_indirect_dma source(%dma_start3A_205 : memref<10000x80xf32, #tpu.memory_space<hbm>>) target(%arg10 : memref<128x80xf32, #tpu.memory_space<vmem>>) offsets(%arg8 : memref<128xi32, #tpu.memory_space<vmem>>) semaphore(%arg16 : memref<!tpu.dma_semaphore, #tpu.memory_space<semaphore_mem>>)
      %dma_start3A_206 = arith.constant 0 : i32
      %dma_start3A_207 = arith.constant 0 : i32
      %dma_start3A_208 = tpu.memref_slice %arg3[%dma_start3A_206, %dma_start3A_207] : memref<10000x16xf32, #tpu.memory_space<hbm>> -> memref<10000x16xf32, #tpu.memory_space<hbm>>
      tpu.enqueue_indirect_dma source(%dma_start3A_208 : memref<10000x16xf32, #tpu.memory_space<hbm>>) target(%arg11 : memref<128x16xf32, #tpu.memory_space<vmem>>) offsets(%arg9 : memref<128xi32, #tpu.memory_space<vmem>>) semaphore(%arg17 : memref<!tpu.dma_semaphore, #tpu.memory_space<semaphore_mem>>)
      %dma_wait3A = arith.constant 0 : i32
      %dma_wait3A_209 = arith.constant 0 : i32
      %dma_wait3A_210 = tpu.memref_slice %arg2[%dma_wait3A, %dma_wait3A_209] : memref<10000x80xf32, #tpu.memory_space<hbm>> -> memref<10000x80xf32, #tpu.memory_space<hbm>>
      tpu.wait_indirect_dma semaphore(%arg16 : memref<!tpu.dma_semaphore, #tpu.memory_space<semaphore_mem>>) src(%dma_wait3A_210 : memref<10000x80xf32, #tpu.memory_space<hbm>>) dst(%arg10 : memref<128x80xf32, #tpu.memory_space<vmem>>)
      %dma_wait3A_211 = arith.constant 0 : i32
      %dma_wait3A_212 = arith.constant 0 : i32
      %dma_wait3A_213 = tpu.memref_slice %arg3[%dma_wait3A_211, %dma_wait3A_212] : memref<10000x16xf32, #tpu.memory_space<hbm>> -> memref<10000x16xf32, #tpu.memory_space<hbm>>
      tpu.wait_indirect_dma semaphore(%arg17 : memref<!tpu.dma_semaphore, #tpu.memory_space<semaphore_mem>>) src(%dma_wait3A_213 : memref<10000x16xf32, #tpu.memory_space<hbm>>) dst(%arg11 : memref<128x16xf32, #tpu.memory_space<vmem>>)
      %scan3A_214 = arith.constant 0 : i32
      %scan3A_215 = arith.constant 128 : i32
      %scan3A_216 = arith.addi %scan3A_214, %scan3A_215 : i32
      %scan3A_217 = arith.constant 1 : i32
      scf.for %scan3A_219 = %scan3A_214 to %scan3A_216 step %scan3A_217  : i32 {
        %mul3A_220 = arith.constant 1 : i32
        %mul3A_221 = arith.muli %scan3A_219, %mul3A_220 : i32
        %add3A_222 = arith.constant 0 : i32
        %add3A_223 = arith.addi %add3A_222, %mul3A_221 : i32
        %get3A_224 = arith.index_cast %add3A_223 : i32 to index
        %get3A_225 = arith.constant 0 : index
        %get3A_226 = tpu.vector_load %arg10[%get3A_224, %get3A_225] {strides = array<i32>} : memref<128x80xf32, #tpu.memory_space<vmem>>, vector<16xf32>,
        %get3A_227 = arith.index_cast %add3A_223 : i32 to index
        %get3A_228 = arith.constant 0 : index
        %get3A_229 = tpu.vector_load %arg11[%get3A_227, %get3A_228] {strides = array<i32>} : memref<128x16xf32, #tpu.memory_space<vmem>>, vector<16xf32>,
        %add3A_230 = arith.addf %get3A_226, %get3A_229 : vector<16xf32>
        %mul3A_231 = arith.constant 2.000000e-01 : f32
        %mul3A_232 = vector.broadcast %mul3A_231 : f32 to vector<16xf32>
        %mul3A_233 = arith.mulf %mul3A_232, %add3A_230 : vector<16xf32>
        %max3A = arith.maximumf %add3A_230, %mul3A_233 : vector<16xf32>
        %sub3A_234 = arith.subf %max3A, %get3A_20 : vector<16xf32>
        %exp3A = math.exp %sub3A_234 : vector<16xf32>
        %swap3A = arith.index_cast %add3A_223 : i32 to index
        %swap3A_235 = arith.constant 0 : index
        %swap3A_236 = tpu.vector_load %arg12[%swap3A, %swap3A_235] {strides = array<i32>} : memref<128x80xf32, #tpu.memory_space<vmem>>, vector<16xf32>,
        tpu.vector_store %arg12[%swap3A, %swap3A_235], %exp3A {strides = array<i32>} : memref<128x80xf32, #tpu.memory_space<vmem>>, vector<16xf32>,
        %get3A_237 = arith.index_cast %add3A_223 : i32 to index
        %get3A_238 = arith.constant 16 : index
        %get3A_239 = tpu.vector_load %arg10[%get3A_237, %get3A_238] {strides = array<i32>} : memref<128x80xf32, #tpu.memory_space<vmem>>, vector<16xf32>,
        %reshape3A = vector.shape_cast %select_n3A : vector<16xi32> to vector<16x1xi32>
        %gather3A = vector.shape_cast %reshape3A : vector<16x1xi32> to vector<16xi32>
        %gather3A_240 = tpu.dynamic_gather %exp3A[%gather3A] in [0] : vector<16xf32>, vector<16xi32> -> vector<16xf32>
        %mul3A_241 = arith.mulf %get3A_239, %gather3A_240 : vector<16xf32>
        %swap3A_242 = arith.index_cast %add3A_223 : i32 to index
        %swap3A_243 = arith.constant 16 : index
        %swap3A_244 = tpu.vector_load %arg12[%swap3A_242, %swap3A_243] {strides = array<i32>} : memref<128x80xf32, #tpu.memory_space<vmem>>, vector<16xf32>,
        tpu.vector_store %arg12[%swap3A_242, %swap3A_243], %mul3A_241 {strides = array<i32>} : memref<128x80xf32, #tpu.memory_space<vmem>>, vector<16xf32>,
        %get3A_245 = arith.index_cast %add3A_223 : i32 to index
        %get3A_246 = arith.constant 32 : index
        %get3A_247 = tpu.vector_load %arg10[%get3A_245, %get3A_246] {strides = array<i32>} : memref<128x80xf32, #tpu.memory_space<vmem>>, vector<16xf32>,
        %reshape3A_248 = vector.shape_cast %select_n3A_80 : vector<16xi32> to vector<16x1xi32>
        %gather3A_249 = vector.shape_cast %reshape3A_248 : vector<16x1xi32> to vector<16xi32>
        %gather3A_250 = tpu.dynamic_gather %exp3A[%gather3A_249] in [0] : vector<16xf32>, vector<16xi32> -> vector<16xf32>
        %mul3A_251 = arith.mulf %get3A_247, %gather3A_250 : vector<16xf32>
        %swap3A_252 = arith.index_cast %add3A_223 : i32 to index
        %swap3A_253 = arith.constant 32 : index
        %swap3A_254 = tpu.vector_load %arg12[%swap3A_252, %swap3A_253] {strides = array<i32>} : memref<128x80xf32, #tpu.memory_space<vmem>>, vector<16xf32>,
        tpu.vector_store %arg12[%swap3A_252, %swap3A_253], %mul3A_251 {strides = array<i32>} : memref<128x80xf32, #tpu.memory_space<vmem>>, vector<16xf32>,
        %get3A_255 = arith.index_cast %add3A_223 : i32 to index
        %get3A_256 = arith.constant 48 : index
        %get3A_257 = tpu.vector_load %arg10[%get3A_255, %get3A_256] {strides = array<i32>} : memref<128x80xf32, #tpu.memory_space<vmem>>, vector<16xf32>,
        %reshape3A_258 = vector.shape_cast %select_n3A_114 : vector<16xi32> to vector<16x1xi32>
        %gather3A_259 = vector.shape_cast %reshape3A_258 : vector<16x1xi32> to vector<16xi32>
        %gather3A_260 = tpu.dynamic_gather %exp3A[%gather3A_259] in [0] : vector<16xf32>, vector<16xi32> -> vector<16xf32>
        %mul3A_261 = arith.mulf %get3A_257, %gather3A_260 : vector<16xf32>
        %swap3A_262 = arith.index_cast %add3A_223 : i32 to index
        %swap3A_263 = arith.constant 48 : index
        %swap3A_264 = tpu.vector_load %arg12[%swap3A_262, %swap3A_263] {strides = array<i32>} : memref<128x80xf32, #tpu.memory_space<vmem>>, vector<16xf32>,
        tpu.vector_store %arg12[%swap3A_262, %swap3A_263], %mul3A_261 {strides = array<i32>} : memref<128x80xf32, #tpu.memory_space<vmem>>, vector<16xf32>,
        %get3A_265 = arith.index_cast %add3A_223 : i32 to index
        %get3A_266 = arith.constant 64 : index
        %get3A_267 = tpu.vector_load %arg10[%get3A_265, %get3A_266] {strides = array<i32>} : memref<128x80xf32, #tpu.memory_space<vmem>>, vector<16xf32>,
        %reshape3A_268 = vector.shape_cast %select_n3A_148 : vector<16xi32> to vector<16x1xi32>
        %gather3A_269 = vector.shape_cast %reshape3A_268 : vector<16x1xi32> to vector<16xi32>
        %gather3A_270 = tpu.dynamic_gather %exp3A[%gather3A_269] in [0] : vector<16xf32>, vector<16xi32> -> vector<16xf32>
        %mul3A_271 = arith.mulf %get3A_267, %gather3A_270 : vector<16xf32>
        %swap3A_272 = arith.index_cast %add3A_223 : i32 to index
        %swap3A_273 = arith.constant 64 : index
        %swap3A_274 = tpu.vector_load %arg12[%swap3A_272, %swap3A_273] {strides = array<i32>} : memref<128x80xf32, #tpu.memory_space<vmem>>, vector<16xf32>,
        tpu.vector_store %arg12[%swap3A_272, %swap3A_273], %mul3A_271 {strides = array<i32>} : memref<128x80xf32, #tpu.memory_space<vmem>>, vector<16xf32>,
      }
      %scan3A_218 = arith.constant 128 : i32
      "tpu.region"() ({
        %run_scoped3A = tpu.sem_alloc : memref<!tpu.dma_semaphore, #tpu.memory_space<semaphore_mem>>
        %dma_start3A_219 = arith.constant 0 : i32
        %dma_start3A_220 = arith.constant 0 : i32
        %dma_start3A_221 = tpu.memref_slice %arg15[%dma_start3A_219, %dma_start3A_220] : memref<10000x80xf32, #tpu.memory_space<vmem_shared>> -> memref<10000x80xf32, #tpu.memory_space<vmem_shared>>
        tpu.enqueue_indirect_dma source(%arg12 : memref<128x80xf32, #tpu.memory_space<vmem>>) target(%dma_start3A_221 : memref<10000x80xf32, #tpu.memory_space<vmem_shared>>) offsets(%arg9 : memref<128xi32, #tpu.memory_space<vmem>>) semaphore(%run_scoped3A : memref<!tpu.dma_semaphore, #tpu.memory_space<semaphore_mem>>) {add = true}
        %dma_wait3A_222 = arith.constant 0 : i32
        %dma_wait3A_223 = arith.constant 0 : i32
        %dma_wait3A_224 = tpu.memref_slice %arg15[%dma_wait3A_222, %dma_wait3A_223] : memref<10000x80xf32, #tpu.memory_space<vmem_shared>> -> memref<10000x80xf32, #tpu.memory_space<vmem_shared>>
        tpu.wait_indirect_dma semaphore(%run_scoped3A : memref<!tpu.dma_semaphore, #tpu.memory_space<semaphore_mem>>) src(%arg12 : memref<128x80xf32, #tpu.memory_space<vmem>>) dst(%dma_wait3A_224 : memref<10000x80xf32, #tpu.memory_space<vmem_shared>>)
        tpu.yield
      }) : () -> ()
    }
    %barrier3A_188 = arith.constant 0 : index
    tpu.barrier barrier_id(%barrier3A_188)
    %mul3A_189 = arith.constant 624 : i32
    %mul3A_190 = arith.muli %arg1, %mul3A_189 : i32
    %mul3A_191 = arith.constant 624 : i32
    %mul3A_192 = arith.muli %arg1, %mul3A_191 : i32
    "tpu.region"() ({
      %run_scoped3A = tpu.sem_alloc : memref<!tpu.dma_semaphore, #tpu.memory_space<semaphore_mem>>
      %dma_start3A = arith.constant 0 : i32
      %dma_start3A_198 = tpu.memref_slice %arg7[%arg0, %mul3A_192, %dma_start3A] : memref<2x10000x80xf32, #tpu.memory_space<hbm>> -> memref<1x624x80xf32, #tpu.memory_space<hbm>>
      %dma_start3A_199 = tpu.memref_squeeze %dma_start3A_198 : memref<1x624x80xf32, #tpu.memory_space<hbm>> -> memref<624x80xf32, #tpu.memory_space<hbm>>
      %dma_start3A_200 = arith.constant 0 : i32
      %dma_start3A_201 = tpu.memref_slice %arg15[%mul3A_190, %dma_start3A_200] : memref<10000x80xf32, #tpu.memory_space<vmem_shared>> -> memref<624x80xf32, #tpu.memory_space<vmem_shared>>
      tpu.enqueue_dma source(%dma_start3A_201 : memref<624x80xf32, #tpu.memory_space<vmem_shared>>) target(%dma_start3A_199 : memref<624x80xf32, #tpu.memory_space<hbm>>) target_semaphore(%run_scoped3A : memref<!tpu.dma_semaphore, #tpu.memory_space<semaphore_mem>>)
      %dma_wait3A = arith.constant 0 : i32
      %dma_wait3A_202 = tpu.memref_slice %arg7[%arg0, %mul3A_192, %dma_wait3A] : memref<2x10000x80xf32, #tpu.memory_space<hbm>> -> memref<1x624x80xf32, #tpu.memory_space<hbm>>
      %dma_wait3A_203 = tpu.memref_squeeze %dma_wait3A_202 : memref<1x624x80xf32, #tpu.memory_space<hbm>> -> memref<624x80xf32, #tpu.memory_space<hbm>>
      %dma_wait3A_204 = arith.constant 0 : i32
      %dma_wait3A_205 = tpu.memref_slice %arg15[%mul3A_190, %dma_wait3A_204] : memref<10000x80xf32, #tpu.memory_space<vmem_shared>> -> memref<624x80xf32, #tpu.memory_space<vmem_shared>>
      tpu.wait_dma2 semaphore(%run_scoped3A : memref<!tpu.dma_semaphore, #tpu.memory_space<semaphore_mem>>) src(%dma_wait3A_205 : memref<624x80xf32, #tpu.memory_space<vmem_shared>>) dst(%dma_wait3A_203 : memref<624x80xf32, #tpu.memory_space<hbm>>)
      tpu.yield
    }) : () -> ()
    %eq3A_193 = arith.constant 15 : i32
    %eq3A_194 = arith.cmpi eq, %arg1, %eq3A_193 : i32
    %convert_element_type3A_195 = arith.extui %eq3A_194 : i1 to i32
    %cond3A_196 = arith.constant 0 : i32
    %cond3A_197 = arith.cmpi ne, %convert_element_type3A_195, %cond3A_196 : i32
    scf.if %cond3A_197 {
      "tpu.region"() ({
        %run_scoped3A = tpu.sem_alloc : memref<!tpu.dma_semaphore, #tpu.memory_space<semaphore_mem>>
        %dma_start3A = arith.constant 9984 : i32
        %dma_start3A_198 = arith.constant 0 : i32
        %dma_start3A_199 = tpu.memref_slice %arg7[%arg0, %dma_start3A, %dma_start3A_198] : memref<2x10000x80xf32, #tpu.memory_space<hbm>> -> memref<1x16x80xf32, #tpu.memory_space<hbm>>
        %dma_start3A_200 = tpu.memref_squeeze %dma_start3A_199 : memref<1x16x80xf32, #tpu.memory_space<hbm>> -> memref<16x80xf32, #tpu.memory_space<hbm>>
        %dma_start3A_201 = arith.constant 9984 : i32
        %dma_start3A_202 = arith.constant 0 : i32
        %dma_start3A_203 = tpu.memref_slice %arg15[%dma_start3A_201, %dma_start3A_202] : memref<10000x80xf32, #tpu.memory_space<vmem_shared>> -> memref<16x80xf32, #tpu.memory_space<vmem_shared>>
        tpu.enqueue_dma source(%dma_start3A_203 : memref<16x80xf32, #tpu.memory_space<vmem_shared>>) target(%dma_start3A_200 : memref<16x80xf32, #tpu.memory_space<hbm>>) target_semaphore(%run_scoped3A : memref<!tpu.dma_semaphore, #tpu.memory_space<semaphore_mem>>)
        %dma_wait3A = arith.constant 9984 : i32
        %dma_wait3A_204 = arith.constant 0 : i32
        %dma_wait3A_205 = tpu.memref_slice %arg7[%arg0, %dma_wait3A, %dma_wait3A_204] : memref<2x10000x80xf32, #tpu.memory_space<hbm>> -> memref<1x16x80xf32, #tpu.memory_space<hbm>>
        %dma_wait3A_206 = tpu.memref_squeeze %dma_wait3A_205 : memref<1x16x80xf32, #tpu.memory_space<hbm>> -> memref<16x80xf32, #tpu.memory_space<hbm>>
        %dma_wait3A_207 = arith.constant 9984 : i32
        %dma_wait3A_208 = arith.constant 0 : i32
        %dma_wait3A_209 = tpu.memref_slice %arg15[%dma_wait3A_207, %dma_wait3A_208] : memref<10000x80xf32, #tpu.memory_space<vmem_shared>> -> memref<16x80xf32, #tpu.memory_space<vmem_shared>>
        tpu.wait_dma2 semaphore(%run_scoped3A : memref<!tpu.dma_semaphore, #tpu.memory_space<semaphore_mem>>) src(%dma_wait3A_209 : memref<16x80xf32, #tpu.memory_space<vmem_shared>>) dst(%dma_wait3A_206 : memref<16x80xf32, #tpu.memory_space<hbm>>)
        tpu.yield
      }) : () -> ()
    } else {
    }
    return
  }
}

module attributes {stable_mosaic.version = 14 : i64} {
  func.func @_prep_body(%arg0: i32, %arg1: memref<1000x128xf32, #tpu.memory_space<vmem>>, %arg2: memref<128x64xf32, #tpu.memory_space<vmem>>, %arg3: memref<64x8xf32, #tpu.memory_space<vmem>>, %arg4: memref<64x8xf32, #tpu.memory_space<vmem>>, %arg5: memref<1000x80xf32, #tpu.memory_space<vmem>>, %arg6: memref<1000x16xf32, #tpu.memory_space<vmem>>, %arg7: memref<1x16xf32, #tpu.memory_space<vmem>>, %arg8: memref<1x8xf32, #tpu.memory_space<vmem>>, %arg9: memref<1x8xf32, #tpu.memory_space<vmem>>) attributes {dimension_semantics = [#tpu.dimension_semantics<arbitrary>], iteration_bounds = array<i64: 10>, scalar_prefetch = 0 : i64, scratch_operands = 2 : i64, tpu.core_type = #tpu.core_type<tc>, window_params = [{transform_indices = @transform_0, window_bounds = array<i64: 1000, 128>}, {pipeline_mode = #tpu.pipeline_mode<synchronous>, transform_indices = @transform_1, window_bounds = array<i64: 128, 64>}, {pipeline_mode = #tpu.pipeline_mode<synchronous>, transform_indices = @transform_2, window_bounds = array<i64: 64, 8>}, {pipeline_mode = #tpu.pipeline_mode<synchronous>, transform_indices = @transform_3, window_bounds = array<i64: 64, 8>}, {transform_indices = @transform_4, window_bounds = array<i64: 1000, 80>}, {transform_indices = @transform_5, window_bounds = array<i64: 1000, 16>}, {pipeline_mode = #tpu.pipeline_mode<synchronous>, transform_indices = @transform_6, window_bounds = array<i64: 1, 16>}]} {
    %get3A = arith.constant 0 : index
    %get3A_0 = arith.constant 0 : index
    %get3A_1 = vector.load %arg1[%get3A, %get3A_0] : memref<1000x128xf32, #tpu.memory_space<vmem>>, vector<1000x128xf32>
    %get3A_2 = arith.constant 0 : index
    %get3A_3 = arith.constant 0 : index
    %get3A_4 = vector.load %arg2[%get3A_2, %get3A_3] : memref<128x64xf32, #tpu.memory_space<vmem>>, vector<128x64xf32>
    %dot_general3A = arith.constant dense<0.000000e+00> : vector<1000x64xf32>
    %dot_general3A_5 = tpu.matmul %get3A_1, %get3A_4, %dot_general3A {dimension_numbers = #tpu.dot_dimension_numbers<[1], [0], [0], [1], [0, 0, 1, 1], [], []>, transpose_lhs_hint = false} : vector<1000x128xf32>, vector<128x64xf32>, vector<1000x64xf32> -> vector<1000x64xf32>
    %get3A_6 = arith.constant 0 : index
    %get3A_7 = arith.constant 0 : index
    %get3A_8 = vector.load %arg3[%get3A_6, %get3A_7] : memref<64x8xf32, #tpu.memory_space<vmem>>, vector<64x8xf32>
    %dot_general3A_9 = arith.constant dense<0.000000e+00> : vector<1000x8xf32>
    %dot_general3A_10 = tpu.matmul %dot_general3A_5, %get3A_8, %dot_general3A_9 {dimension_numbers = #tpu.dot_dimension_numbers<[1], [0], [0], [1], [0, 0, 1, 1], [], []>, transpose_lhs_hint = false} : vector<1000x64xf32>, vector<64x8xf32>, vector<1000x8xf32> -> vector<1000x8xf32>
    %get3A_11 = arith.constant 0 : index
    %get3A_12 = arith.constant 0 : index
    %get3A_13 = vector.load %arg4[%get3A_11, %get3A_12] : memref<64x8xf32, #tpu.memory_space<vmem>>, vector<64x8xf32>
    %dot_general3A_14 = arith.constant dense<0.000000e+00> : vector<1000x8xf32>
    %dot_general3A_15 = tpu.matmul %dot_general3A_5, %get3A_13, %dot_general3A_14 {dimension_numbers = #tpu.dot_dimension_numbers<[1], [0], [0], [1], [0, 0, 1, 1], [], []>, transpose_lhs_hint = false} : vector<1000x64xf32>, vector<64x8xf32>, vector<1000x8xf32> -> vector<1000x8xf32>
    %broadcast_in_dim3A = arith.constant 0.000000e+00 : f32
    %broadcast_in_dim3A_16 = vector.broadcast %broadcast_in_dim3A : f32 to vector<1000x8xf32>
    %concatenate3A = tpu.concatenate %dot_general3A_10, %broadcast_in_dim3A_16, %dot_general3A_5 in 1 : vector<1000x8xf32>, vector<1000x8xf32>, vector<1000x64xf32> -> vector<1000x80xf32>
    %swap3A = arith.constant 0 : index
    %swap3A_17 = arith.constant 0 : index
    %swap3A_18 = vector.load %arg5[%swap3A, %swap3A_17] : memref<1000x80xf32, #tpu.memory_space<vmem>>, vector<1000x80xf32>
    tpu.vector_store %arg5[%swap3A, %swap3A_17], %concatenate3A {strides = array<i32>} : memref<1000x80xf32, #tpu.memory_space<vmem>>, vector<1000x80xf32>,
    %concatenate3A_19 = tpu.concatenate %dot_general3A_15, %broadcast_in_dim3A_16 in 1 : vector<1000x8xf32>, vector<1000x8xf32> -> vector<1000x16xf32>
    %swap3A_20 = arith.constant 0 : index
    %swap3A_21 = arith.constant 0 : index
    %swap3A_22 = vector.load %arg6[%swap3A_20, %swap3A_21] : memref<1000x16xf32, #tpu.memory_space<vmem>>, vector<1000x16xf32>
    tpu.vector_store %arg6[%swap3A_20, %swap3A_21], %concatenate3A_19 {strides = array<i32>} : memref<1000x16xf32, #tpu.memory_space<vmem>>, vector<1000x16xf32>,
    %reduce_max3A = arith.constant dense<0xFF800000> : vector<8xf32>
    %reduce_max3A_23 = vector.multi_reduction <maximumf>, %dot_general3A_10, %reduce_max3A [0] : vector<1000x8xf32> to vector<8xf32>
    %broadcast_in_dim3A_24 = vector.shape_cast %reduce_max3A_23 : vector<8xf32> to vector<1x8xf32>
    %reduce_max3A_25 = arith.constant dense<0xFF800000> : vector<8xf32>
    %reduce_max3A_26 = vector.multi_reduction <maximumf>, %dot_general3A_15, %reduce_max3A_25 [0] : vector<1000x8xf32> to vector<8xf32>
    %broadcast_in_dim3A_27 = vector.shape_cast %reduce_max3A_26 : vector<8xf32> to vector<1x8xf32>
    %eq3A = arith.constant 0 : i32
    %eq3A_28 = arith.cmpi eq, %arg0, %eq3A : i32
    %convert_element_type3A = arith.extui %eq3A_28 : i1 to i32
    %cond3A = arith.constant 0 : i32
    %cond3A_29 = arith.cmpi ne, %convert_element_type3A, %cond3A : i32
    scf.if %cond3A_29 {
      %swap3A_39 = arith.constant 0 : index
      %swap3A_40 = arith.constant 0 : index
      %swap3A_41 = vector.load %arg8[%swap3A_39, %swap3A_40] : memref<1x8xf32, #tpu.memory_space<vmem>>, vector<1x8xf32>
      tpu.vector_store %arg8[%swap3A_39, %swap3A_40], %broadcast_in_dim3A_24 {strides = array<i32>} : memref<1x8xf32, #tpu.memory_space<vmem>>, vector<1x8xf32>,
      %swap3A_42 = arith.constant 0 : index
      %swap3A_43 = arith.constant 0 : index
      %swap3A_44 = vector.load %arg9[%swap3A_42, %swap3A_43] : memref<1x8xf32, #tpu.memory_space<vmem>>, vector<1x8xf32>
      tpu.vector_store %arg9[%swap3A_42, %swap3A_43], %broadcast_in_dim3A_27 {strides = array<i32>} : memref<1x8xf32, #tpu.memory_space<vmem>>, vector<1x8xf32>,
    } else {
    }
    %ne3A = arith.constant 0 : i32
    %ne3A_30 = arith.cmpi ne, %arg0, %ne3A : i32
    %convert_element_type3A_31 = arith.extui %ne3A_30 : i1 to i32
    %cond3A_32 = arith.constant 0 : i32
    %cond3A_33 = arith.cmpi ne, %convert_element_type3A_31, %cond3A_32 : i32
    scf.if %cond3A_33 {
      %get3A_39 = arith.constant 0 : index
      %get3A_40 = arith.constant 0 : index
      %get3A_41 = vector.load %arg8[%get3A_39, %get3A_40] : memref<1x8xf32, #tpu.memory_space<vmem>>, vector<1x8xf32>
      %max3A = arith.maximumf %get3A_41, %broadcast_in_dim3A_24 : vector<1x8xf32>
      %swap3A_42 = arith.constant 0 : index
      %swap3A_43 = arith.constant 0 : index
      %swap3A_44 = vector.load %arg8[%swap3A_42, %swap3A_43] : memref<1x8xf32, #tpu.memory_space<vmem>>, vector<1x8xf32>
      tpu.vector_store %arg8[%swap3A_42, %swap3A_43], %max3A {strides = array<i32>} : memref<1x8xf32, #tpu.memory_space<vmem>>, vector<1x8xf32>,
      %get3A_45 = arith.constant 0 : index
      %get3A_46 = arith.constant 0 : index
      %get3A_47 = vector.load %arg9[%get3A_45, %get3A_46] : memref<1x8xf32, #tpu.memory_space<vmem>>, vector<1x8xf32>
      %max3A_48 = arith.maximumf %get3A_47, %broadcast_in_dim3A_27 : vector<1x8xf32>
      %swap3A_49 = arith.constant 0 : index
      %swap3A_50 = arith.constant 0 : index
      %swap3A_51 = vector.load %arg9[%swap3A_49, %swap3A_50] : memref<1x8xf32, #tpu.memory_space<vmem>>, vector<1x8xf32>
      tpu.vector_store %arg9[%swap3A_49, %swap3A_50], %max3A_48 {strides = array<i32>} : memref<1x8xf32, #tpu.memory_space<vmem>>, vector<1x8xf32>,
    } else {
    }
    %eq3A_34 = arith.constant 9 : i32
    %eq3A_35 = arith.cmpi eq, %arg0, %eq3A_34 : i32
    %convert_element_type3A_36 = arith.extui %eq3A_35 : i1 to i32
    %cond3A_37 = arith.constant 0 : i32
    %cond3A_38 = arith.cmpi ne, %convert_element_type3A_36, %cond3A_37 : i32
    scf.if %cond3A_38 {
      %get3A_39 = arith.constant 0 : index
      %get3A_40 = arith.constant 0 : index
      %get3A_41 = vector.load %arg8[%get3A_39, %get3A_40] : memref<1x8xf32, #tpu.memory_space<vmem>>, vector<1x8xf32>
      %get3A_42 = arith.constant 0 : index
      %get3A_43 = arith.constant 0 : index
      %get3A_44 = vector.load %arg9[%get3A_42, %get3A_43] : memref<1x8xf32, #tpu.memory_space<vmem>>, vector<1x8xf32>
      %add3A = arith.addf %get3A_41, %get3A_44 : vector<1x8xf32>
      %mul3A = arith.constant 2.000000e-01 : f32
      %mul3A_45 = vector.broadcast %mul3A : f32 to vector<1x8xf32>
      %mul3A_46 = arith.mulf %mul3A_45, %add3A : vector<1x8xf32>
      %max3A = arith.maximumf %add3A, %mul3A_46 : vector<1x8xf32>
      %broadcast_in_dim3A_47 = arith.constant 0.000000e+00 : f32
      %broadcast_in_dim3A_48 = vector.broadcast %broadcast_in_dim3A_47 : f32 to vector<1x8xf32>
      %concatenate3A_49 = tpu.concatenate %max3A, %broadcast_in_dim3A_48 in 1 : vector<1x8xf32>, vector<1x8xf32> -> vector<1x16xf32>
      %swap3A_50 = arith.constant 0 : index
      %swap3A_51 = arith.constant 0 : index
      %swap3A_52 = vector.load %arg7[%swap3A_50, %swap3A_51] : memref<1x16xf32, #tpu.memory_space<vmem>>, vector<1x16xf32>
      tpu.vector_store %arg7[%swap3A_50, %swap3A_51], %concatenate3A_49 {strides = array<i32>} : memref<1x16xf32, #tpu.memory_space<vmem>>, vector<1x16xf32>,
    } else {
    }
    return
  }
  func.func @transform_0(%arg0: i32) -> (i32, i32) {
    %c0_i32 = arith.constant 0 : i32
    %c0_i32_0 = arith.constant 0 : i32
    return %arg0, %c0_i32 : i32, i32
  }
  func.func @transform_1(%arg0: i32) -> (i32, i32) {
    %c0_i32 = arith.constant 0 : i32
    %c0_i32_0 = arith.constant 0 : i32
    %c0_i32_1 = arith.constant 0 : i32
    return %c0_i32, %c0_i32_0 : i32, i32
  }
  func.func @transform_2(%arg0: i32) -> (i32, i32) {
    %c0_i32 = arith.constant 0 : i32
    %c0_i32_0 = arith.constant 0 : i32
    %c0_i32_1 = arith.constant 0 : i32
    return %c0_i32, %c0_i32_0 : i32, i32
  }
  func.func @transform_3(%arg0: i32) -> (i32, i32) {
    %c0_i32 = arith.constant 0 : i32
    %c0_i32_0 = arith.constant 0 : i32
    %c0_i32_1 = arith.constant 0 : i32
    return %c0_i32, %c0_i32_0 : i32, i32
  }
  func.func @transform_4(%arg0: i32) -> (i32, i32) {
    %c0_i32 = arith.constant 0 : i32
    %c0_i32_0 = arith.constant 0 : i32
    return %arg0, %c0_i32 : i32, i32
  }
  func.func @transform_5(%arg0: i32) -> (i32, i32) {
    %c0_i32 = arith.constant 0 : i32
    %c0_i32_0 = arith.constant 0 : i32
    return %arg0, %c0_i32 : i32, i32
  }
  func.func @transform_6(%arg0: i32) -> (i32, i32) {
    %c0_i32 = arith.constant 0 : i32
    %c0_i32_0 = arith.constant 0 : i32
    %c0_i32_1 = arith.constant 0 : i32
    return %c0_i32, %c0_i32_0 : i32, i32
  }
}

module attributes {stable_mosaic.version = 14 : i64} {
  func.func @_mid_body(%arg0: i32, %arg1: memref<2x1000x80xf32, #tpu.memory_space<vmem>>, %arg2: memref<8x64xf32, #tpu.memory_space<vmem>>, %arg3: memref<1x64xf32, #tpu.memory_space<vmem>>, %arg4: memref<64x56xf32, #tpu.memory_space<vmem>>, %arg5: memref<56x8xf32, #tpu.memory_space<vmem>>, %arg6: memref<56x8xf32, #tpu.memory_space<vmem>>, %arg7: memref<1000x80xf32, #tpu.memory_space<vmem>>, %arg8: memref<1000x16xf32, #tpu.memory_space<vmem>>, %arg9: memref<1x16xf32, #tpu.memory_space<vmem>>, %arg10: memref<1x8xf32, #tpu.memory_space<vmem>>, %arg11: memref<1x8xf32, #tpu.memory_space<vmem>>) attributes {dimension_semantics = [#tpu.dimension_semantics<arbitrary>], iteration_bounds = array<i64: 10>, scalar_prefetch = 0 : i64, scratch_operands = 2 : i64, tpu.core_type = #tpu.core_type<tc>, window_params = [{transform_indices = @transform_0, window_bounds = array<i64: 2, 1000, 80>}, {pipeline_mode = #tpu.pipeline_mode<synchronous>, transform_indices = @transform_1, window_bounds = array<i64: 8, 64>}, {pipeline_mode = #tpu.pipeline_mode<synchronous>, transform_indices = @transform_2, window_bounds = array<i64: 1, 64>}, {pipeline_mode = #tpu.pipeline_mode<synchronous>, transform_indices = @transform_3, window_bounds = array<i64: 64, 56>}, {pipeline_mode = #tpu.pipeline_mode<synchronous>, transform_indices = @transform_4, window_bounds = array<i64: 56, 8>}, {pipeline_mode = #tpu.pipeline_mode<synchronous>, transform_indices = @transform_5, window_bounds = array<i64: 56, 8>}, {transform_indices = @transform_6, window_bounds = array<i64: 1000, 80>}, {transform_indices = @transform_7, window_bounds = array<i64: 1000, 16>}, {pipeline_mode = #tpu.pipeline_mode<synchronous>, transform_indices = @transform_8, window_bounds = array<i64: 1, 16>}]} {
    %get3A = arith.constant 0 : index
    %get3A_0 = arith.constant 0 : index
    %get3A_1 = arith.constant 0 : index
    %get3A_2 = vector.load %arg1[%get3A, %get3A_0, %get3A_1] : memref<2x1000x80xf32, #tpu.memory_space<vmem>>, vector<1x1000x8xf32>
    %get3A_3 = vector.shape_cast %get3A_2 : vector<1x1000x8xf32> to vector<1000x8xf32>
    %get3A_4 = arith.constant 1 : index
    %get3A_5 = arith.constant 0 : index
    %get3A_6 = arith.constant 0 : index
    %get3A_7 = vector.load %arg1[%get3A_4, %get3A_5, %get3A_6] : memref<2x1000x80xf32, #tpu.memory_space<vmem>>, vector<1x1000x8xf32>
    %get3A_8 = vector.shape_cast %get3A_7 : vector<1x1000x8xf32> to vector<1000x8xf32>
    %add3A = arith.addf %get3A_3, %get3A_8 : vector<1000x8xf32>
    %get3A_9 = arith.constant 0 : index
    %get3A_10 = arith.constant 0 : index
    %get3A_11 = arith.constant 16 : index
    %get3A_12 = vector.load %arg1[%get3A_9, %get3A_10, %get3A_11] : memref<2x1000x80xf32, #tpu.memory_space<vmem>>, vector<1x1000x64xf32>
    %get3A_13 = vector.shape_cast %get3A_12 : vector<1x1000x64xf32> to vector<1000x64xf32>
    %get3A_14 = arith.constant 1 : index
    %get3A_15 = arith.constant 0 : index
    %get3A_16 = arith.constant 16 : index
    %get3A_17 = vector.load %arg1[%get3A_14, %get3A_15, %get3A_16] : memref<2x1000x80xf32, #tpu.memory_space<vmem>>, vector<1x1000x64xf32>
    %get3A_18 = vector.shape_cast %get3A_17 : vector<1x1000x64xf32> to vector<1000x64xf32>
    %add3A_19 = arith.addf %get3A_13, %get3A_18 : vector<1000x64xf32>
    %get3A_20 = arith.constant 0 : index
    %get3A_21 = arith.constant 0 : index
    %get3A_22 = vector.load %arg2[%get3A_20, %get3A_21] : memref<8x64xf32, #tpu.memory_space<vmem>>, vector<8x64xf32>
    %dot_general3A = arith.constant dense<0.000000e+00> : vector<1000x64xf32>
    %dot_general3A_23 = tpu.matmul %add3A, %get3A_22, %dot_general3A {dimension_numbers = #tpu.dot_dimension_numbers<[1], [0], [0], [1], [0, 0, 1, 1], [], []>, transpose_lhs_hint = false} : vector<1000x8xf32>, vector<8x64xf32>, vector<1000x64xf32> -> vector<1000x64xf32>
    %add3A_24 = arith.constant 1.000000e-16 : f32
    %add3A_25 = vector.broadcast %add3A_24 : f32 to vector<1000x64xf32>
    %add3A_26 = arith.addf %dot_general3A_23, %add3A_25 : vector<1000x64xf32>
    %div3A = arith.divf %add3A_19, %add3A_26 : vector<1000x64xf32>
    %get3A_27 = arith.constant 0 : index
    %get3A_28 = arith.constant 0 : index
    %get3A_29 = vector.load %arg3[%get3A_27, %get3A_28] : memref<1x64xf32, #tpu.memory_space<vmem>>, vector<1x64xf32>
    %add3A_30 = vector.broadcast %get3A_29 : vector<1x64xf32> to vector<1000x64xf32>
    %add3A_31 = arith.addf %div3A, %add3A_30 : vector<1000x64xf32>
    %gt3A = arith.constant 0.000000e+00 : f32
    %gt3A_32 = vector.broadcast %gt3A : f32 to vector<1000x64xf32>
    %gt3A_33 = arith.cmpf ogt, %add3A_31, %gt3A_32 : vector<1000x64xf32>
    %min3A = arith.constant 0.000000e+00 : f32
    %min3A_34 = vector.broadcast %min3A : f32 to vector<1000x64xf32>
    %min3A_35 = arith.minimumf %add3A_31, %min3A_34 : vector<1000x64xf32>
    %exp3A = math.exp %min3A_35 : vector<1000x64xf32>
    %sub3A = arith.constant 1.000000e+00 : f32
    %sub3A_36 = vector.broadcast %sub3A : f32 to vector<1000x64xf32>
    %sub3A_37 = arith.subf %exp3A, %sub3A_36 : vector<1000x64xf32>
    %select_n3A = arith.select %gt3A_33, %add3A_31, %sub3A_37 : vector<1000x64xi1>, vector<1000x64xf32>
    %get3A_38 = arith.constant 0 : index
    %get3A_39 = arith.constant 0 : index
    %get3A_40 = vector.load %arg4[%get3A_38, %get3A_39] : memref<64x56xf32, #tpu.memory_space<vmem>>, vector<64x56xf32>
    %dot_general3A_41 = arith.constant dense<0.000000e+00> : vector<1000x56xf32>
    %dot_general3A_42 = tpu.matmul %select_n3A, %get3A_40, %dot_general3A_41 {dimension_numbers = #tpu.dot_dimension_numbers<[1], [0], [0], [1], [0, 0, 1, 1], [], []>, transpose_lhs_hint = false} : vector<1000x64xf32>, vector<64x56xf32>, vector<1000x56xf32> -> vector<1000x56xf32>
    %get3A_43 = arith.constant 0 : index
    %get3A_44 = arith.constant 0 : index
    %get3A_45 = vector.load %arg5[%get3A_43, %get3A_44] : memref<56x8xf32, #tpu.memory_space<vmem>>, vector<56x8xf32>
    %dot_general3A_46 = arith.constant dense<0.000000e+00> : vector<1000x8xf32>
    %dot_general3A_47 = tpu.matmul %dot_general3A_42, %get3A_45, %dot_general3A_46 {dimension_numbers = #tpu.dot_dimension_numbers<[1], [0], [0], [1], [0, 0, 1, 1], [], []>, transpose_lhs_hint = false} : vector<1000x56xf32>, vector<56x8xf32>, vector<1000x8xf32> -> vector<1000x8xf32>
    %get3A_48 = arith.constant 0 : index
    %get3A_49 = arith.constant 0 : index
    %get3A_50 = vector.load %arg6[%get3A_48, %get3A_49] : memref<56x8xf32, #tpu.memory_space<vmem>>, vector<56x8xf32>
    %dot_general3A_51 = arith.constant dense<0.000000e+00> : vector<1000x8xf32>
    %dot_general3A_52 = tpu.matmul %dot_general3A_42, %get3A_50, %dot_general3A_51 {dimension_numbers = #tpu.dot_dimension_numbers<[1], [0], [0], [1], [0, 0, 1, 1], [], []>, transpose_lhs_hint = false} : vector<1000x56xf32>, vector<56x8xf32>, vector<1000x8xf32> -> vector<1000x8xf32>
    %broadcast_in_dim3A = arith.constant 0.000000e+00 : f32
    %broadcast_in_dim3A_53 = vector.broadcast %broadcast_in_dim3A : f32 to vector<1000x8xf32>
    %concatenate3A = tpu.concatenate %dot_general3A_47, %broadcast_in_dim3A_53, %dot_general3A_42, %broadcast_in_dim3A_53 in 1 : vector<1000x8xf32>, vector<1000x8xf32>, vector<1000x56xf32>, vector<1000x8xf32> -> vector<1000x80xf32>
    %swap3A = arith.constant 0 : index
    %swap3A_54 = arith.constant 0 : index
    %swap3A_55 = vector.load %arg7[%swap3A, %swap3A_54] : memref<1000x80xf32, #tpu.memory_space<vmem>>, vector<1000x80xf32>
    tpu.vector_store %arg7[%swap3A, %swap3A_54], %concatenate3A {strides = array<i32>} : memref<1000x80xf32, #tpu.memory_space<vmem>>, vector<1000x80xf32>,
    %concatenate3A_56 = tpu.concatenate %dot_general3A_52, %broadcast_in_dim3A_53 in 1 : vector<1000x8xf32>, vector<1000x8xf32> -> vector<1000x16xf32>
    %swap3A_57 = arith.constant 0 : index
    %swap3A_58 = arith.constant 0 : index
    %swap3A_59 = vector.load %arg8[%swap3A_57, %swap3A_58] : memref<1000x16xf32, #tpu.memory_space<vmem>>, vector<1000x16xf32>
    tpu.vector_store %arg8[%swap3A_57, %swap3A_58], %concatenate3A_56 {strides = array<i32>} : memref<1000x16xf32, #tpu.memory_space<vmem>>, vector<1000x16xf32>,
    %reduce_max3A = arith.constant dense<0xFF800000> : vector<8xf32>
    %reduce_max3A_60 = vector.multi_reduction <maximumf>, %dot_general3A_47, %reduce_max3A [0] : vector<1000x8xf32> to vector<8xf32>
    %broadcast_in_dim3A_61 = vector.shape_cast %reduce_max3A_60 : vector<8xf32> to vector<1x8xf32>
    %reduce_max3A_62 = arith.constant dense<0xFF800000> : vector<8xf32>
    %reduce_max3A_63 = vector.multi_reduction <maximumf>, %dot_general3A_52, %reduce_max3A_62 [0] : vector<1000x8xf32> to vector<8xf32>
    %broadcast_in_dim3A_64 = vector.shape_cast %reduce_max3A_63 : vector<8xf32> to vector<1x8xf32>
    %eq3A = arith.constant 0 : i32
    %eq3A_65 = arith.cmpi eq, %arg0, %eq3A : i32
    %convert_element_type3A = arith.extui %eq3A_65 : i1 to i32
    %cond3A = arith.constant 0 : i32
    %cond3A_66 = arith.cmpi ne, %convert_element_type3A, %cond3A : i32
    scf.if %cond3A_66 {
      %swap3A_76 = arith.constant 0 : index
      %swap3A_77 = arith.constant 0 : index
      %swap3A_78 = vector.load %arg10[%swap3A_76, %swap3A_77] : memref<1x8xf32, #tpu.memory_space<vmem>>, vector<1x8xf32>
      tpu.vector_store %arg10[%swap3A_76, %swap3A_77], %broadcast_in_dim3A_61 {strides = array<i32>} : memref<1x8xf32, #tpu.memory_space<vmem>>, vector<1x8xf32>,
      %swap3A_79 = arith.constant 0 : index
      %swap3A_80 = arith.constant 0 : index
      %swap3A_81 = vector.load %arg11[%swap3A_79, %swap3A_80] : memref<1x8xf32, #tpu.memory_space<vmem>>, vector<1x8xf32>
      tpu.vector_store %arg11[%swap3A_79, %swap3A_80], %broadcast_in_dim3A_64 {strides = array<i32>} : memref<1x8xf32, #tpu.memory_space<vmem>>, vector<1x8xf32>,
    } else {
    }
    %ne3A = arith.constant 0 : i32
    %ne3A_67 = arith.cmpi ne, %arg0, %ne3A : i32
    %convert_element_type3A_68 = arith.extui %ne3A_67 : i1 to i32
    %cond3A_69 = arith.constant 0 : i32
    %cond3A_70 = arith.cmpi ne, %convert_element_type3A_68, %cond3A_69 : i32
    scf.if %cond3A_70 {
      %get3A_76 = arith.constant 0 : index
      %get3A_77 = arith.constant 0 : index
      %get3A_78 = vector.load %arg10[%get3A_76, %get3A_77] : memref<1x8xf32, #tpu.memory_space<vmem>>, vector<1x8xf32>
      %max3A = arith.maximumf %get3A_78, %broadcast_in_dim3A_61 : vector<1x8xf32>
      %swap3A_79 = arith.constant 0 : index
      %swap3A_80 = arith.constant 0 : index
      %swap3A_81 = vector.load %arg10[%swap3A_79, %swap3A_80] : memref<1x8xf32, #tpu.memory_space<vmem>>, vector<1x8xf32>
      tpu.vector_store %arg10[%swap3A_79, %swap3A_80], %max3A {strides = array<i32>} : memref<1x8xf32, #tpu.memory_space<vmem>>, vector<1x8xf32>,
      %get3A_82 = arith.constant 0 : index
      %get3A_83 = arith.constant 0 : index
      %get3A_84 = vector.load %arg11[%get3A_82, %get3A_83] : memref<1x8xf32, #tpu.memory_space<vmem>>, vector<1x8xf32>
      %max3A_85 = arith.maximumf %get3A_84, %broadcast_in_dim3A_64 : vector<1x8xf32>
      %swap3A_86 = arith.constant 0 : index
      %swap3A_87 = arith.constant 0 : index
      %swap3A_88 = vector.load %arg11[%swap3A_86, %swap3A_87] : memref<1x8xf32, #tpu.memory_space<vmem>>, vector<1x8xf32>
      tpu.vector_store %arg11[%swap3A_86, %swap3A_87], %max3A_85 {strides = array<i32>} : memref<1x8xf32, #tpu.memory_space<vmem>>, vector<1x8xf32>,
    } else {
    }
    %eq3A_71 = arith.constant 9 : i32
    %eq3A_72 = arith.cmpi eq, %arg0, %eq3A_71 : i32
    %convert_element_type3A_73 = arith.extui %eq3A_72 : i1 to i32
    %cond3A_74 = arith.constant 0 : i32
    %cond3A_75 = arith.cmpi ne, %convert_element_type3A_73, %cond3A_74 : i32
    scf.if %cond3A_75 {
      %get3A_76 = arith.constant 0 : index
      %get3A_77 = arith.constant 0 : index
      %get3A_78 = vector.load %arg10[%get3A_76, %get3A_77] : memref<1x8xf32, #tpu.memory_space<vmem>>, vector<1x8xf32>
      %get3A_79 = arith.constant 0 : index
      %get3A_80 = arith.constant 0 : index
      %get3A_81 = vector.load %arg11[%get3A_79, %get3A_80] : memref<1x8xf32, #tpu.memory_space<vmem>>, vector<1x8xf32>
      %add3A_82 = arith.addf %get3A_78, %get3A_81 : vector<1x8xf32>
      %mul3A = arith.constant 2.000000e-01 : f32
      %mul3A_83 = vector.broadcast %mul3A : f32 to vector<1x8xf32>
      %mul3A_84 = arith.mulf %mul3A_83, %add3A_82 : vector<1x8xf32>
      %max3A = arith.maximumf %add3A_82, %mul3A_84 : vector<1x8xf32>
      %broadcast_in_dim3A_85 = arith.constant 0.000000e+00 : f32
      %broadcast_in_dim3A_86 = vector.broadcast %broadcast_in_dim3A_85 : f32 to vector<1x8xf32>
      %concatenate3A_87 = tpu.concatenate %max3A, %broadcast_in_dim3A_86 in 1 : vector<1x8xf32>, vector<1x8xf32> -> vector<1x16xf32>
      %swap3A_88 = arith.constant 0 : index
      %swap3A_89 = arith.constant 0 : index
      %swap3A_90 = vector.load %arg9[%swap3A_88, %swap3A_89] : memref<1x16xf32, #tpu.memory_space<vmem>>, vector<1x16xf32>
      tpu.vector_store %arg9[%swap3A_88, %swap3A_89], %concatenate3A_87 {strides = array<i32>} : memref<1x16xf32, #tpu.memory_space<vmem>>, vector<1x16xf32>,
    } else {
    }
    return
  }
  func.func @transform_0(%arg0: i32) -> (i32, i32, i32) {
    %c0_i32 = arith.constant 0 : i32
    %c0_i32_0 = arith.constant 0 : i32
    %c0_i32_1 = arith.constant 0 : i32
    return %c0_i32, %arg0, %c0_i32_0 : i32, i32, i32
  }
  func.func @transform_1(%arg0: i32) -> (i32, i32) {
    %c0_i32 = arith.constant 0 : i32
    %c0_i32_0 = arith.constant 0 : i32
    %c0_i32_1 = arith.constant 0 : i32
    return %c0_i32, %c0_i32_0 : i32, i32
  }
  func.func @transform_2(%arg0: i32) -> (i32, i32) {
    %c0_i32 = arith.constant 0 : i32
    %c0_i32_0 = arith.constant 0 : i32
    %c0_i32_1 = arith.constant 0 : i32
    return %c0_i32, %c0_i32_0 : i32, i32
  }
  func.func @transform_3(%arg0: i32) -> (i32, i32) {
    %c0_i32 = arith.constant 0 : i32
    %c0_i32_0 = arith.constant 0 : i32
    %c0_i32_1 = arith.constant 0 : i32
    return %c0_i32, %c0_i32_0 : i32, i32
  }
  func.func @transform_4(%arg0: i32) -> (i32, i32) {
    %c0_i32 = arith.constant 0 : i32
    %c0_i32_0 = arith.constant 0 : i32
    %c0_i32_1 = arith.constant 0 : i32
    return %c0_i32, %c0_i32_0 : i32, i32
  }
  func.func @transform_5(%arg0: i32) -> (i32, i32) {
    %c0_i32 = arith.constant 0 : i32
    %c0_i32_0 = arith.constant 0 : i32
    %c0_i32_1 = arith.constant 0 : i32
    return %c0_i32, %c0_i32_0 : i32, i32
  }
  func.func @transform_6(%arg0: i32) -> (i32, i32) {
    %c0_i32 = arith.constant 0 : i32
    %c0_i32_0 = arith.constant 0 : i32
    return %arg0, %c0_i32 : i32, i32
  }
  func.func @transform_7(%arg0: i32) -> (i32, i32) {
    %c0_i32 = arith.constant 0 : i32
    %c0_i32_0 = arith.constant 0 : i32
    return %arg0, %c0_i32 : i32, i32
  }
  func.func @transform_8(%arg0: i32) -> (i32, i32) {
    %c0_i32 = arith.constant 0 : i32
    %c0_i32_0 = arith.constant 0 : i32
    %c0_i32_1 = arith.constant 0 : i32
    return %c0_i32, %c0_i32_0 : i32, i32
  }
}

module attributes {stable_mosaic.version = 14 : i64} {
  func.func @_norm_body(%arg0: i32, %arg1: memref<2x1000x80xf32, #tpu.memory_space<vmem>>, %arg2: memref<8x56xf32, #tpu.memory_space<vmem>>, %arg3: memref<1x56xf32, #tpu.memory_space<vmem>>, %arg4: memref<1000x56xf32, #tpu.memory_space<vmem>>) attributes {dimension_semantics = [#tpu.dimension_semantics<arbitrary>], iteration_bounds = array<i64: 10>, scalar_prefetch = 0 : i64, scratch_operands = 0 : i64, tpu.core_type = #tpu.core_type<tc>, window_params = [{transform_indices = @transform_0, window_bounds = array<i64: 2, 1000, 80>}, {pipeline_mode = #tpu.pipeline_mode<synchronous>, transform_indices = @transform_1, window_bounds = array<i64: 8, 56>}, {pipeline_mode = #tpu.pipeline_mode<synchronous>, transform_indices = @transform_2, window_bounds = array<i64: 1, 56>}, {transform_indices = @transform_3, window_bounds = array<i64: 1000, 56>}]} {
    %get3A = arith.constant 0 : index
    %get3A_0 = arith.constant 0 : index
    %get3A_1 = arith.constant 0 : index
    %get3A_2 = vector.load %arg1[%get3A, %get3A_0, %get3A_1] : memref<2x1000x80xf32, #tpu.memory_space<vmem>>, vector<1x1000x8xf32>
    %get3A_3 = vector.shape_cast %get3A_2 : vector<1x1000x8xf32> to vector<1000x8xf32>
    %get3A_4 = arith.constant 1 : index
    %get3A_5 = arith.constant 0 : index
    %get3A_6 = arith.constant 0 : index
    %get3A_7 = vector.load %arg1[%get3A_4, %get3A_5, %get3A_6] : memref<2x1000x80xf32, #tpu.memory_space<vmem>>, vector<1x1000x8xf32>
    %get3A_8 = vector.shape_cast %get3A_7 : vector<1x1000x8xf32> to vector<1000x8xf32>
    %add3A = arith.addf %get3A_3, %get3A_8 : vector<1000x8xf32>
    %get3A_9 = arith.constant 0 : index
    %get3A_10 = arith.constant 0 : index
    %get3A_11 = arith.constant 16 : index
    %get3A_12 = vector.load %arg1[%get3A_9, %get3A_10, %get3A_11] : memref<2x1000x80xf32, #tpu.memory_space<vmem>>, vector<1x1000x56xf32>
    %get3A_13 = vector.shape_cast %get3A_12 : vector<1x1000x56xf32> to vector<1000x56xf32>
    %get3A_14 = arith.constant 1 : index
    %get3A_15 = arith.constant 0 : index
    %get3A_16 = arith.constant 16 : index
    %get3A_17 = vector.load %arg1[%get3A_14, %get3A_15, %get3A_16] : memref<2x1000x80xf32, #tpu.memory_space<vmem>>, vector<1x1000x56xf32>
    %get3A_18 = vector.shape_cast %get3A_17 : vector<1x1000x56xf32> to vector<1000x56xf32>
    %add3A_19 = arith.addf %get3A_13, %get3A_18 : vector<1000x56xf32>
    %get3A_20 = arith.constant 0 : index
    %get3A_21 = arith.constant 0 : index
    %get3A_22 = vector.load %arg2[%get3A_20, %get3A_21] : memref<8x56xf32, #tpu.memory_space<vmem>>, vector<8x56xf32>
    %dot_general3A = arith.constant dense<0.000000e+00> : vector<1000x56xf32>
    %dot_general3A_23 = tpu.matmul %add3A, %get3A_22, %dot_general3A {dimension_numbers = #tpu.dot_dimension_numbers<[1], [0], [0], [1], [0, 0, 1, 1], [], []>, transpose_lhs_hint = false} : vector<1000x8xf32>, vector<8x56xf32>, vector<1000x56xf32> -> vector<1000x56xf32>
    %add3A_24 = arith.constant 1.000000e-16 : f32
    %add3A_25 = vector.broadcast %add3A_24 : f32 to vector<1000x56xf32>
    %add3A_26 = arith.addf %dot_general3A_23, %add3A_25 : vector<1000x56xf32>
    %div3A = arith.divf %add3A_19, %add3A_26 : vector<1000x56xf32>
    %get3A_27 = arith.constant 0 : index
    %get3A_28 = arith.constant 0 : index
    %get3A_29 = vector.load %arg3[%get3A_27, %get3A_28] : memref<1x56xf32, #tpu.memory_space<vmem>>, vector<1x56xf32>
    %add3A_30 = vector.broadcast %get3A_29 : vector<1x56xf32> to vector<1000x56xf32>
    %add3A_31 = arith.addf %div3A, %add3A_30 : vector<1000x56xf32>
    %swap3A = arith.constant 0 : index
    %swap3A_32 = arith.constant 0 : index
    %swap3A_33 = vector.load %arg4[%swap3A, %swap3A_32] : memref<1000x56xf32, #tpu.memory_space<vmem>>, vector<1000x56xf32>
    tpu.vector_store %arg4[%swap3A, %swap3A_32], %add3A_31 {strides = array<i32>} : memref<1000x56xf32, #tpu.memory_space<vmem>>, vector<1000x56xf32>,
    return
  }
  func.func @transform_0(%arg0: i32) -> (i32, i32, i32) {
    %c0_i32 = arith.constant 0 : i32
    %c0_i32_0 = arith.constant 0 : i32
    %c0_i32_1 = arith.constant 0 : i32
    return %c0_i32, %arg0, %c0_i32_0 : i32, i32, i32
  }
  func.func @transform_1(%arg0: i32) -> (i32, i32) {
    %c0_i32 = arith.constant 0 : i32
    %c0_i32_0 = arith.constant 0 : i32
    %c0_i32_1 = arith.constant 0 : i32
    return %c0_i32, %c0_i32_0 : i32, i32
  }
  func.func @transform_2(%arg0: i32) -> (i32, i32) {
    %c0_i32 = arith.constant 0 : i32
    %c0_i32_0 = arith.constant 0 : i32
    %c0_i32_1 = arith.constant 0 : i32
    return %c0_i32, %c0_i32_0 : i32, i32
  }
  func.func @transform_3(%arg0: i32) -> (i32, i32) {
    %c0_i32 = arith.constant 0 : i32
    %c0_i32_0 = arith.constant 0 : i32
    return %arg0, %c0_i32 : i32, i32
  }
}

</mosaic_0001>

<sc_bundles>
// kernel: kernel.10.cloned.1.call-start
scs
__scs_entry_jumppad:
0x0: {  	(pc) =	sbr.rel $0x88, $3  }
0x1: {  	(tag) =	ssettag $0x0;
	lr =	simm.s32 $0x1  }
0x2: {  	[smem:$0x3F97] =	sst lr;
	_ =	strace $0xD0000000  }
0x3: {  	_ = 	snop  }
0x4: {  	_ = 	snop  }
0x5: {  	_ = 	snop  }
0x6: {  	_ = 	snop  }
0x7: {  	_ = 	snop  }
__scs_overlays_trampoline_lowered:
0x8: {  	[smem:$0x3FA6] =	sst s0  }
0x9: {  	[smem:$0x3FA7] =	sst s1  }
0xa: {  	[smem:$0x3FA8] =	sst s2  }
0xb: {  	[smem:$0x3FA9] =	sst s3  }
0xc: {  	[smem:$0x3FAA] =	sst s4  }
0xd: {  	[smem:$0x3FAB] =	sst s5  }
0xe: {  	[smem:$0x3FAC] =	sst s6  }
0xf: {  	[smem:$0x3FAD] =	sst s7  }
0x10: {  	[smem:$0x3FAE] =	sst s8  }
0x11: {  	[smem:$0x3FAF] =	sst s9;
	s0 =	simm.s32 @!p0 $0x0  }
0x12: {  	s1 =	sld [smem:$0x3F95];
	s0 =	simm.s32 @p0 $0x1  }
0x13: {  	[smem:$0x3FB0] =	sst s0;
	s0 =	simm.s32 @!p1 $0x0  }
0x14: {  	s2 =	sld [smem:$0x3F94];
	s0 =	simm.s32 @p1 $0x1  }
0x15: {  	[smem:$0x3FB1] =	sst s0;
	s0 =	simm.s32 @!p2 $0x0  }
0x16: {  	s3 =	sld [smem:$0x3FDB];
	s0 =	simm.s32 @p2 $0x1  }
0x17: {  	s4 =	simm.s32 $0x1BF5;
	[smem:$0x3FB3] =	sst s0  }
0x18: {  	s0 =	sld [smem:$0x3F96];
	_ =	swait.ge [sflag:s4], $0x0  }
0x19: {  	s7 =	sld [smem:$0x3F97]  }
0x1a: {  	s8 =	sadd.s32 $0xFFFFE003, lr  }
0x1b: {  	s9 =	sadd.s32 $0xFFFFFEF7, lr;
	s5 =	simm.s32 $0xFFFFFFFF;
	p2 =	slt.u32 s8, $0xFFFFF086  }
0x1c: {  	p1 =	slt.u32 s9, $0xF7A;
	s5 =	simm.s32 @!p2 $0x0  }
0x1d: {  	s5 =	simm.s32 @p1 $0x1;
	p0 =	seq.s32 s7, s2  }
0x1e: {  	s7 =	smul.u32 @!p0 $0xF7A, s2;
	p2 =	seq.s32 @!p0 s5, $0x0  }
0x1f: {  	s9 =	smul.u32 $0xF7A, s1;
	s8 =	simm.s32 @!p0 $0x1BF5;
	p2 =	por !p2, p0  }
0x20: {  	[sflag:s8] =	ssyncset.s32 @!p0 $0xFFFFF086;
	s6 =	sadd.s32 @!p0 s3, s7;
	s7 =	simm.s32 @!p0 $0x108  }
0x21: {  	s3 =	sadd.s32 s3, s9;
	s6 =	sadd.s32 @!p0 $0x88, s6;
	s7 =	simm.s32 @p2 $0x1082  }
0x22: {  	[simem:s7], [sflag:s8] =	dma.local @!p0 [hbm:s6], $0xF7A  }
0x23: {  	s9 =	sor.u32 $0xD0000000, s2;
	s6 =	simm.s32 $0x108;
	_ =	swait.ge @!p0 [sflag:s8], $0x0  }
0x24: {  	s3 =	sadd.s32 $0x88, s3;
	s6 =	simm.s32 @!p1 $0x1082;
	[sflag:s4] =	ssyncset.s32 $0xFFFFF086  }
0x25: {  	[simem:s6], [sflag:s4] =	dma.local [hbm:s3], $0xF7A  }
0x26: {  	[smem:$0x3F97] =	sst s1;
	(tag) =	ssettag s2;
	_ =	strace s9  }
0x27: {  	s1 =	sld [smem:$0x3FA7]  }
0x28: {  	s2 =	sld [smem:$0x3FA8]  }
0x29: {  	s4 =	sld [smem:$0x3FAA]  }
0x2a: {  	p0 =	seq.s32 s5, $0x0;
	s5 =	sld [smem:$0x3FAB]  }
0x2b: {  	s6 =	sld [smem:$0x3FAC]  }
0x2c: {  	s7 =	sld [smem:$0x3FAD]  }
0x2d: {  	s3 =	simm.s32 $0x108;
	s8 =	sld [smem:$0x3FAE]  }
0x2e: {  	s3 =	simm.s32 @!p0 $0x1082;
	s9 =	sld [smem:$0x3FAF]  }
0x2f: {  	lr =	sadd.s32 s0, s3;
	s0 =	sld [smem:$0x3FA6]  }
0x30: {  	s3 =	sld [smem:$0x3FA9]  }
0x31: {  	[smem:$0x3FB2] =	sst s10  }
0x32: {  	s10 =	sld [smem:$0x3FB0];
	_ =	sdelay $0x3  }
0x33: {  	p0 =	seq.s32 s10, $0x1;
	s10 =	sld [smem:$0x3FB2];
	_ =	sdelay $0x3  }
0x34: {  	[smem:$0x3FB2] =	sst s10  }
0x35: {  	s10 =	sld [smem:$0x3FB1];
	_ =	sdelay $0x3  }
0x36: {  	p1 =	seq.s32 s10, $0x1;
	s10 =	sld [smem:$0x3FB2];
	_ =	sdelay $0x3  }
0x37: {  	[smem:$0x3FB2] =	sst s10  }
0x38: {  	s10 =	sld [smem:$0x3FB3]  }
0x39: {  	_ = 	snop;
	(pc) =	sbr.ind lr, $3  }
0x3a: {  	_ = 	snop  }
0x3b: {  	_ = 	snop  }
0x3c: {  	p2 =	seq.s32 s10, $0x1;
	s10 =	sld [smem:$0x3FB2]  }
0x3d: {  	_ =	shalt  }
0x3e: {  	_ =	shalt  }
0x3f: {  	_ =	shalt  }
0x40: {  	_ =	shalt  }
0x41: {  	_ =	shalt  }
0x42: {  	_ =	shalt  }
0x43: {  	_ =	shalt  }
0x44: {  	_ =	shalt  }
0x45: {  	_ =	shalt  }
0x46: {  	_ =	shalt  }
0x47: {  	_ =	shalt  }
0x48: {  	_ =	shalt  }
0x49: {  	_ =	shalt  }
0x4a: {  	_ =	shalt  }
0x4b: {  	_ =	shalt  }
0x4c: {  	_ =	shalt  }
0x4d: {  	_ =	shalt  }
0x4e: {  	_ =	shalt  }
0x4f: {  	_ =	shalt  }
0x50: {  	_ =	shalt  }
0x51: {  	_ =	shalt  }
0x52: {  	_ =	shalt  }
0x53: {  	_ =	shalt  }
0x54: {  	_ =	shalt  }
0x55: {  	_ =	shalt  }
0x56: {  	_ =	shalt  }
0x57: {  	_ =	shalt  }
0x58: {  	_ =	shalt  }
0x59: {  	_ =	shalt  }
0x5a: {  	_ =	shalt  }
0x5b: {  	_ =	shalt  }
0x5c: {  	_ =	shalt  }
0x5d: {  	_ =	shalt  }
0x5e: {  	_ =	shalt  }
0x5f: {  	_ =	shalt  }
0x60: {  	_ =	shalt  }
0x61: {  	_ =	shalt  }
0x62: {  	_ =	shalt  }
0x63: {  	_ =	shalt  }
0x64: {  	_ =	shalt  }
0x65: {  	_ =	shalt  }
0x66: {  	_ =	shalt  }
0x67: {  	_ =	shalt  }
0x68: {  	_ =	shalt  }
0x69: {  	_ =	shalt  }
0x6a: {  	_ =	shalt  }
0x6b: {  	_ =	shalt  }
0x6c: {  	_ =	shalt  }
0x6d: {  	_ =	shalt  }
0x6e: {  	_ =	shalt  }
0x6f: {  	_ =	shalt  }
0x70: {  	_ =	shalt  }
0x71: {  	_ =	shalt  }
0x72: {  	_ =	shalt  }
0x73: {  	_ =	shalt  }
0x74: {  	_ =	shalt  }
0x75: {  	_ =	shalt  }
0x76: {  	_ =	shalt  }
0x77: {  	_ =	shalt  }
0x78: {  	_ =	shalt  }
0x79: {  	_ =	shalt  }
0x7a: {  	_ =	shalt  }
0x7b: {  	_ =	shalt  }
0x7c: {  	_ =	shalt  }
0x7d: {  	_ =	shalt  }
0x7e: {  	_ =	shalt  }
0x7f: {  	_ =	shalt  }
0x80: {  	_ =	shalt  }
0x81: {  	_ =	shalt  }
0x82: {  	_ =	shalt  }
0x83: {  	_ =	shalt  }
0x84: {  	_ =	shalt  }
0x85: {  	_ =	shalt  }
0x86: {  	_ =	shalt  }
0x87: {  	_ =	shalt  }
.Lfunc_end0:
.L_simem_size_0:
called_computation.1_lowered:
.L_overlay_start_0:
0x88: {  	s2 =	sld [smem:$0x3FD9]  }
0x89: {  	s3 =	sld [smem:$0x3FFE];
	_ =	sdelay $0x1  }
0x8a: {  	s1 =	srdreg.scid  }
0x8b: {  	s0 =	sand.u32 $0x1, s1  }
0x8c: {  	s17 =	sshll.u32 s0, $0xA;
	s2 =	sadd.s32 s3, s2  }
0x8d: {  	s2 =	sadd.s32 s2, s17  }
0x8e: {  	[smem:$0x3FBE] =	sst s2  }
0x8f: {  	_ = 	snop  }
0x90: {  	s2 =	sld [smem:$0x3FD0];
	(tm) =	ssettm $0x1  }
0x91: {  	s18 =	sld [smem:$0x3FFB];
	_ =	sdelay $0x3  }
0x92: {  	_ =	strace s18  }
0x93: {  	s3 =	sld [smem:$0x3FFC];
	_ =	sdelay $0x3  }
0x94: {  	_ =	strace s3  }
0x95: {  	s3 =	sld [smem:$0x3FFD];
	_ =	sdelay $0x3  }
0x96: {  	_ =	strace s3  }
0x97: {  	_ =	strace $0x8FFFFFFF  }
0x98: {  	s19 =	sld [smem:$0x3FDB];
	_ =	sdelay $0x1  }
0x99: {  	s4 =	simm.s32 $_scs_section_size  }
0x9a: {  	s5 =	simm.s32 $_size__tile_overlayer_lowered;
	s6 =	simm.s32 $_tile_overlayer_lowered  }
0x9b: {  	s22 =	simm.s32 $0x1BFF;
	s21 =	sshll.u32 s6, $0x1;
	s3 =	sadd.s32 s4, s19  }
0x9c: {  	s7 =	simm.s32 $0x0;
	s20 =	sshll.u32 s5, $0x1;
	s5 =	sadd.s32 s21, s3  }
0x9d: {  	[timem:s7], [sflag:s22] =	dma.local [hbm:s5], s20  }
0x9e: {  	_ =	swait.ge [sflag:s22], s20  }
0x9f: {  	s4 =	ssub.s32 $0x0, s20;
	[sflag:s22] =	ssyncset.done $0x0  }
0xa0: {  	[sflag:s22] =	ssyncadd.s32 s4;
	_ =	sdelay $0x1  }
0xa1: {  	s23 =	simm.s32 $0x1B8B  }
0xa2: {  	_ =	swait.ge [sflag:s23], $0x1  }
0xa3: {  	[sflag:s23] =	ssyncset.done $0x0  }
0xa4: {  	s25 =	simm.s32 $0x1B8E;
	s24 =	sld [smem:$0x3FFE];
	[sflag:s23] =	ssyncadd.s32 $0xFFFFFFFF  }
0xa5: {  	s26 =	simm.s32 $execute0_lowered;
	[smem:$0x3FD2] =	sst s25  }
0xa6: {  	s5 =	sshll.u32 s26, $0x1;
	_ =	strace $0x80000049;
	[dreg:$0x1] =	wrdreg $0xFFFFFFFF  }
0xa7: {  	s28 =	simm.s32 $_size_execute0_lowered;
	s3 =	sadd.s32 s3, s5;
	[dreg:$0x0] =	wrdreg $0x0  }
0xa8: {  	s5 =	sshll.u32 s28, $0x1;
	[dreg:$0x2] =	wrdreg s3  }
0xa9: {  	[dreg:$0x3] =	wrdreg s5  }
0xaa: {  	[dreg:$0x4] =	wrdreg $0xC0  }
0xab: {  	_ =	task [dreg:s7], $0x5FFFF  }
0xac: {  	[dreg:$0x1] =	wrdreg $0xFFFFFFFF  }
0xad: {  	[dreg:$0x0] =	wrdreg $0x60  }
0xae: {  	[dreg:$0x2] =	wrdreg s24  }
0xaf: {  	[dreg:$0x3] =	wrdreg s2  }
0xb0: {  	[dreg:$0x4] =	wrdreg $0x9A100  }
0xb1: {  	[dreg:$0x5] =	wrdreg $0x9  }
0xb2: {  	_ =	task.clear_ibuf [dreg:s7], $0x6FFFF;
	_ =	strace $0x90000049  }
0xb3: {  	s29 =	simm.s32 $0x9;
	_ =	strace $0x8000004B  }
0xb4: {  	_ =	swait.ge [sflag:s29], $0x1  }
0xb5: {  	[sflag:s29] =	ssyncadd.s32 $0xFFFFFFFF  }
0xb6: {  	_ =	strace $0x9000004B  }
0xb7: {  	_ =	sfence  }
0xb8: {  	s30 =	sld [smem:$0x0];
	_ =	sdelay $0x2  }
0xb9: {  	s31 =	sshll.u32 s1, $0xD;
	s1 =	sshrl.u32 s1, $0x2  }
0xba: {  	s3 =	sand.u32 $0x4000, s31;
	s1 =	sadd.s32 s1, s30  }
0xbb: {  	s0 =	sor.u32 s3, s0;
	s1 =	sshll.u32 s1, $0x11  }
0xbc: {  	s0 =	sor.u32 s1, s0  }
0xbd: {  	s0 =	sadd.s32 $0x8F2B, s0  }
0xbe: {  	[sflag:s0] =	ssyncadd.remote.s32 $0x1  }
0xbf: {  	_ =	sfence.sel $0xFFFF  }
0xc0: {  	[dreg:$0x0] =	wrdreg $0xFFFFFFFF;
	(pc) =	sbr.abs _section_cstart, $3  }
0xc1: {  	[dreg:$0x1] =	wrdreg $0xFFFFFFFF  }
0xc2: {  	_ =	task.clear_ibuf [dreg:s7], $0x2FFFF;
	_ =	strace $0x9FFFFFFF  }
0xc3: {  	(tm) =	ssettm $0x7FFFFFFF  }
tec
execute0_lowered:
.L_overlay_start_1:
0x0: {  	(tag) =	ssettag $0x1  }
0x1: {  	s9 =	rddreg [dreg:$0x0]  }
0x2: {  	s1 =	rddreg [dreg:$0x1]  }
0x3: {  	s2 =	rddreg [dreg:$0x2];
	s3 =	simm.s32 $0x0;
	s7 =	srdreg.scid  }
0x4: {  	s4 =	stileid.u32;
	s20 =	simm.s32 $0x5900;
	s21 =	simm.s32 $0x80  }
0x5: {  	s22 =	simm.s32 $0x100;
	s23 =	simm.s32 $0x1;
	s24 =	simm.s32 $0x2  }
0x6: {  	s25 =	simm.s32 $0x3100;
	[smem:$0x7FF] =	sst s3;
	s5 =	sadd.s32 $0x1A00, s9  }
0x7: {  	s6 =	sadd.s32 $0x1800, s9;
	s10 =	sand.u32 $0x1, s7;
	s7 =	sadd.s32 $0x2DC00, s9  }
0x8: {  	s12 =	smul.u32 $0x30C00, s4;
	s8 =	sadd.s32 $0x1A200, s9;
	s15 =	sadd.s32 $0x41600, s9  }
0x9: {  	s13 =	smul.u32 $0xC300, s4;
	s31 =	sshll.u32 s4, $0x1;
	p0 =	sne.s32 s4, $0xF  }
0xa: {  	vm0 =	vcmask $0x1B00;
	v0 =	vimm.s32 $0x2;
	vm10 =	vcmask $0x371C;
	_ =	strace $0x8000004A;
	s11 =	ssub.s32 $0x2, s10;
	s14 =	smul.u32 $0xC3500, s10  }
0xb: {  	v1 =	vimm.s32 $0x4;
	vm1 =	vcmask $0x1300;
	v2 =	vimm.s32 $0x5040404;
	s16 =	sor.u32 s10, s31;
	s29 =	sshrl.u32 s11, $0x1;
	s30 =	sshrl.u32 s12, $0x2  }
0xc: {  	v3 =	vimm.s32 $0x7070706;
	vm11 =	vcmask $0x2F14;
	vm12 =	vcmask $0xF00;
	s9 =	sadd.s32 s13, s2;
	s17 =	ssub.s32 s11, s29;
	s12 =	sadd.s32 s30, s2  }
0xd: {  	vm13 =	vcmask $0x1F10;
	vm14 =	vcmask $0x2710;
	v3 =	vunpack.c.0.s8.s32 v3;
	s18 =	sadd.s32 s13, s14;
	s13 =	sshll.u32 s16, $0x7;
	s19 =	sshrl.u32 s14, $0x3  }
0xe: {  	vm15 =	vcmask $0x3B20;
	v0 =	vsel vm0, $0x0, v0;
	v2 =	vunpack.c.0.s8.s32 v2;
	s16 =	ssub.s32 $0x13A7, s16;
	s10 =	sadd.s32 $0x4100, s12;
	s11 =	sadd.s32 $0x8200, s12  }
0xf: {  	v1 =	vsel vm1, $0x2, v1;
	v0 =	vsel vm10, $0x1, v0;
	v3 =	vnsel vm12, $0x9, v3;
	s12 =	sadd.s32 $0xC3000, s2;
	s18 =	sshrl.u32 s18, $0x3;
	s16 =	sshrl.u32 s16, $0x5  }
0x10: {  	v1 =	vsel vm11, $0x3, v1;
	v2 =	vnsel vm12, $0x6, v2;
	v4 =	vsel vm13, $0x7, v3;
	s17 =	smax.u32 s17, $0x1;
	s14 =	sadd.s32 s15, s18;
	s15 =	sadd.s32 s15, s19  }
0x11: {  	v2 =	vsel vm14, $0x5, v2;
	v3 =	vimm.f32 $0.0e+00;
	v4 =	vsel vm15, $0x8, v4;
	s18 =	simm.s32 $0x5910;
	s19 =	simm.s32 $0x3;
	s15 =	sadd.s32 $0x18600, s15  }
.LBB2_1:
0x12: {  	s28 =	simm.s32 $0x140;
	s26 =	simm.s32 $0x0  }
.LBB2_2:
0x13: {  	p1 =	sne.s32 s28, $0x102C0;
	[tilespmem:s26+$0x5950] =	vst v3;
	s29 =	smov.u32 s28;
	s28 =	sadd.s32 $0x140, s28  }
.Ltmp0:
0x14: {  	[tilespmem:s26+$0x5940] =	vst v3;
	(pc) =	sbr.rel @p1 .LBB2_2-.Ltmp0, $4  }
0x15: {  	[tilespmem:s26+$0x5930] =	vst v3  }
0x16: {  	[tilespmem:s26+$0x5910] =	vst v3  }
0x17: {  	[tilespmem:s26+$0x5920] =	vst v3  }
0x18: {  	s26 =	sshra.s32 s29, $0x2  }
0x19: {  	[tilespmem:s26+$0x5950] =	vst v3  }
0x1a: {  	[tilespmem:s26+$0x5940] =	vst v3  }
0x1b: {  	[tilespmem:s26+$0x5930] =	vst v3  }
0x1c: {  	[tilespmem:s26+$0x5910] =	vst v3  }
0x1d: {  	[tilespmem:s26+$0x5920] =	vst v3  }
0x1e: {  	[spmem:s9] =	stream.linear.scatter [tilespmem:s18], [sflag:$0x3], $0x4100, $0x38;
	[tilespmem:$0x15D60] =	vst v63  }
0x1f: {  	_ =	swait.ge [sflag:s19], $0x4100  }
0x20: {  	[sflag:s19] =	ssyncset.done $0x0  }
0x21: {  	[sflag:s19] =	ssyncadd.s32 $0xFFFFBF00  }
0x22: {  	[spmem:s10] =	stream.linear.scatter [tilespmem:s18], [sflag:$0x3], $0x4100, $0x38;
	[tilespmem:$0x15D60] =	vst v63  }
0x23: {  	_ =	swait.ge [sflag:s19], $0x4100  }
0x24: {  	[sflag:s19] =	ssyncset.done $0x0  }
0x25: {  	[sflag:s19] =	ssyncadd.s32 $0xFFFFBF00  }
0x26: {  	[spmem:s11] =	stream.linear.scatter [tilespmem:s18], [sflag:$0x3], $0x4100, $0x38;
	[tilespmem:$0x15D60] =	vst v63  }
0x27: {  	_ =	swait.ge [sflag:s19], $0x4100  }
0x28: {  	[sflag:s19] =	ssyncset.done $0x0  }
0x29: {  	s26 =	simm.s32 @!p0 $0x5910;
	[sflag:s19] =	ssyncadd.s32 $0xFFFFBF00  }
0x2a: {  	[spmem:s12] =	stream.linear.scatter @!p0 [tilespmem:s26], [sflag:$0x3], $0x500, $0x38;
	[tilespmem:$0x15D60] =	vst v63  }
0x2b: {  	s26 =	simm.s32 @!p0 $0x3  }
0x2c: {  	_ =	swait.ge @!p0 [sflag:s26], $0x500  }
0x2d: {  	[sflag:s26] =	ssyncset.done @!p0 $0x0  }
0x2e: {  	[sflag:s26] =	ssyncadd.s32 @!p0 $0xFFFFFB00;
	s26 =	simm.s32 $0x0  }
0x2f: {  	[tilespmem:s20], [sflag:$0x3] =	stream.linear.gather [hbm4b:s6+s26], $0x10, $0x38;
	[tilespmem:$0x15D60] =	vst v63  }
0x30: {  	_ =	swait.ge [sflag:s19], $0x10  }
0x31: {  	[sflag:s19] =	ssyncset.done $0x0  }
0x32: {  	[sflag:s19] =	ssyncadd.s32 $0xFFFFFFF0  }
0x33: {  	[bflag:$0x0] =	sbarrier.arrive $0xFFFF  }
0x34: {  	s28 =	simm.s32 $0x0;
	v5 =	vld [tilespmem:$0x5900]  }
.LBB2_4:
0x35: {  	s29 =	sshll.u32 s28, $0xC  }
0x36: {  	s29 =	sor.u32 s13, s29  }
0x37: {  	s29 =	sshrl.u32 s29, $0x3  }
0x38: {  	s30 =	sadd.s32 s7, s29  }
0x39: {  	[tilespmem:s26], [sflag:$0x3] =	stream.linear.gather [hbm4b:s30+s26], $0x80, $0x38;
	[tilespmem:$0x15D60] =	vst v63  }
0x3a: {  	_ =	swait.ge [sflag:s19], $0x80  }
0x3b: {  	[sflag:s19] =	ssyncset.done $0x0  }
0x3c: {  	s29 =	sadd.s32 s8, s29;
	[sflag:s19] =	ssyncadd.s32 $0xFFFFFF80  }
0x3d: {  	[tilespmem:s21], [sflag:$0x3] =	stream.linear.gather [hbm4b:s29+s26], $0x80, $0x38;
	[tilespmem:$0x15D60] =	vst v63  }
0x3e: {  	_ =	swait.ge [sflag:s19], $0x80  }
0x3f: {  	[sflag:s19] =	ssyncset.done $0x0  }
0x40: {  	[sflag:s19] =	ssyncadd.s32 $0xFFFFFF80  }
0x41: {  	[tilespmem:s22], [sflag:$0x1] =	stream.indirect.gather [hbm4b:s5+s21], $0x50, s26, s21, $0xb8;
	[tilespmem:$0x15D60] =	vst v63  }
0x42: {  	s30 =	simm.s32 $0x2900  }
0x43: {  	[tilespmem:s30], [sflag:$0x2] =	stream.indirect.gather [hbm4b:s1+s21], $0x10, s21, s21, $0xb8;
	[tilespmem:$0x15D60] =	vst v63  }
0x44: {  	_ =	swait.ge [sflag:s23], $0x2800  }
0x45: {  	[sflag:s23] =	ssyncset.done $0x0  }
0x46: {  	[sflag:s23] =	ssyncadd.s32 $0xFFFFD800  }
0x47: {  	_ =	swait.ge [sflag:s24], $0x800  }
0x48: {  	[sflag:s24] =	ssyncset.done $0x0  }
0x49: {  	s29 =	simm.s32 $0x0;
	[sflag:s24] =	ssyncadd.s32 $0xFFFFF800  }
0x4a: {  	s31 =	simm.s32 $0x140;
	v6 =	vld [tilespmem:s29+$0x100]  }
.LBB2_5:
0x4b: {  	p1 =	sne.s32 s31, $0x9EC0;
	v7 =	vld [tilespmem:s30+$0x0];
	_ =	sdelay $0x4  }
0x4c: {  	v6 =	vadd.f32 v7, v6;
	_ =	sdelay $0x1  }
0x4d: {  	v7 =	vmul.f32 $2.000000030e-01, v6;
	_ =	sdelay $0x1  }
0x4e: {  	v6 =	vmax.f32 v6, v7  }
0x4f: {  	v6 =	vsub.f32 v6, v5;
	_ =	sdelay $0x1  }
0x50: {  	v6 =	vmul.f32 $1.442695020e+00, v6;
	_ =	sdelay $0x1  }
0x51: {  	(erf) = vpow2.f32 v6;
	_ =	sdelay $0x4  }
0x52: {  	v6 =	vld [tilespmem:s29+$0x110]  }
0x53: {  	v7 =	vld [tilespmem:s29+$0x120]  }
0x54: {  	v8 =	vld [tilespmem:s29+$0x130]  }
0x55: {  	v9 =	vld [tilespmem:s29+$0x140]  }
0x56: {  	v10 =	vpop (erf)  }
0x57: {  	[tilespmem:s29+$0x3100] =	vst v10;
	v11 =	vperm.xlane v10, v0;
	v12 =	vperm.xlane v10, v1  }
0x58: {  	v13 =	vperm.xlane v10, v2;
	v10 =	vperm.xlane v10, v4  }
0x59: {  	v6 =	vmul.f32 v11, v6;
	v7 =	vmul.f32 v12, v7  }
.Ltmp1:
0x5a: {  	v8 =	vmul.f32 v13, v8;
	v9 =	vmul.f32 v10, v9;
	(pc) =	sbr.rel @p1 .LBB2_5-.Ltmp1, $4  }
0x5b: {  	[tilespmem:s29+$0x3110] =	vst v6  }
0x5c: {  	[tilespmem:s29+$0x3120] =	vst v7  }
0x5d: {  	s0 =	sshra.s32 s31, $0x2;
	[tilespmem:s29+$0x3130] =	vst v8  }
0x5e: {  	s31 =	sadd.s32 $0x140, s31;
	s30 =	sadd.s32 $0x10, s30;
	v6 =	vld [tilespmem:s0+$0x100];
	[tilespmem:s29+$0x3140] =	vst v9;
	s29 =	smov.u32 s0  }
0x5f: {  	v7 =	vld [tilespmem:s30+$0x0];
	_ =	sdelay $0x4  }
0x60: {  	v6 =	vadd.f32 v7, v6;
	_ =	sdelay $0x1  }
0x61: {  	v7 =	vmul.f32 $2.000000030e-01, v6;
	_ =	sdelay $0x1  }
0x62: {  	v6 =	vmax.f32 v6, v7  }
0x63: {  	v6 =	vsub.f32 v6, v5;
	_ =	sdelay $0x1  }
0x64: {  	v6 =	vmul.f32 $1.442695020e+00, v6;
	_ =	sdelay $0x1  }
0x65: {  	(erf) = vpow2.f32 v6;
	_ =	sdelay $0x6  }
0x66: {  	v6 =	vld [tilespmem:s29+$0x110]  }
0x67: {  	v7 =	vld [tilespmem:s29+$0x120]  }
0x68: {  	v8 =	vld [tilespmem:s29+$0x130];
	v9 =	vpop (erf)  }
0x69: {  	v10 =	vld [tilespmem:s29+$0x140];
	v11 =	vperm.xlane v9, v0  }
0x6a: {  	v12 =	vperm.xlane v9, v1  }
0x6b: {  	v13 =	vperm.xlane v9, v2;
	v6 =	vmul.f32 v11, v6  }
0x6c: {  	[tilespmem:s29+$0x3100] =	vst v9;
	v9 =	vperm.xlane v9, v4;
	v7 =	vmul.f32 v12, v7  }
0x6d: {  	v8 =	vmul.f32 v13, v8;
	[tilespmem:s29+$0x3110] =	vst v6  }
0x6e: {  	s28 =	sadd.s32 $0x1, s28;
	v6 =	vmul.f32 v9, v10;
	[tilespmem:s29+$0x3120] =	vst v7  }
0x6f: {  	p1 =	sne.s32 s28, s16;
	[tilespmem:s29+$0x3130] =	vst v8  }
.Ltmp2:
0x70: {  	[tilespmem:s29+$0x3140] =	vst v6;
	(pc) =	sbr.rel @p1 .LBB2_4-.Ltmp2, $4  }
0x71: {  	[spmem:s2] =	stream.indirect.scatter.add.f32 [tilespmem:s25], [sflag:$0x3], $0x50, s21, s21, $0xb8;
	[tilespmem:$0x15D60] =	vst v63  }
0x72: {  	_ =	swait.ge [sflag:s19], $0x2800  }
0x73: {  	[sflag:s19] =	ssyncset.done $0x0  }
0x74: {  	[sflag:s19] =	ssyncadd.s32 $0xFFFFD800  }
0x75: {  	s0 =	sshll.u32 s4, $0x6  }
0x76: {  	[bflag:$0x0] =	sbarrier.arrive $0xFFFF;
	s26 =	sshrl.u32 s9, $0x3;
	s0 =	sor.u32 $0x1C03, s0  }
0x77: {  	[hbm:s14], [sflag:s0] =	dma.local [spmem:s26], $0x1860  }
0x78: {  	_ =	swait.ge [sflag:s19], $0x1860  }
0x79: {  	s3 =	sadd.s32 $0x1, s3;
	[sflag:s19] =	ssyncset.done $0x0  }
0x7a: {  	p1 =	sne.s32 s3, s17;
	s26 =	sshrl.u32 @!p0 s12, $0x3;
	[sflag:s19] =	ssyncadd.s32 $0xFFFFE7A0  }
0x7b: {  	[hbm:s15], [sflag:s0] =	dma.local @!p0 [spmem:s26], $0xA0  }
.Ltmp3:
0x7c: {  	_ = 	snop;
	(pc) =	sbr.rel @p1 .LBB2_1-.Ltmp3, $4  }
0x7d: {  	s0 =	simm.s32 @!p0 $0x3  }
0x7e: {  	_ =	swait.ge @!p0 [sflag:s0], $0xA0  }
0x7f: {  	[sflag:s0] =	ssyncset.done @!p0 $0x0  }
0x80: {  	[sflag:s0] =	ssyncadd.s32 @!p0 $0xFFFFFF60  }
0x81: {  	_ =	sfence.sel $0x180000  }
0x82: {  	[bflag:$0x0] =	sbarrier.arrive $0xFFFF  }
0x83: {  	_ =	strace $0x9000004A  }
0x84: {  	[bflag:$0x2] =	sbarrier.arrive $0xFFFF  }
0x85: {  	p0 =	sne.s32 s4, $0x0;
	s0 =	rddreg [dreg:$0x3]  }
0x86: {  	s0 =	sadd.s32 @!p0 $0x100000, s0  }
0x87: {  	[sflag:s0] =	ssyncadd.tile.s32 @!p0 $0x1;
	_ =	shalt  }
.Lfunc_end2:
_tile_overlayer_lowered:
.L_overlay_start_2:
0x88: {  	(tag) =	ssettag $0x2  }
0x89: {  	s0 =	rddreg [dreg:$0x0];
	s2 =	stileid.u32  }
0x8a: {  	s1 =	rddreg [dreg:$0x1];
	p0 =	sne.s32 s2, $0x0  }
0x8b: {  	s3 =	rddreg [dreg:$0x2];
	[bflag:$0x3] =	sbarrier.arrive $0xFFFF;
	s2 =	simm.s32 @!p0 $0x1C03  }
0x8c: {  	[timem:s3], [sflag:s2] =	dma.local @!p0 [hbm:s0], s1  }
0x8d: {  	s0 =	simm.s32 @!p0 $0x3  }
0x8e: {  	_ =	swait.ge @!p0 [sflag:s0], s1  }
0x8f: {  	s1 =	ssub.s32 @!p0 $0x0, s1;
	[sflag:s0] =	ssyncset.done @!p0 $0x0  }
0x90: {  	[sflag:s0] =	ssyncadd.s32 @!p0 s1  }
0x91: {  	[bflag:$0x3] =	sbarrier.arrive $0xFFFF  }
0x92: {  	_ =	shalt  }

// kernel: kernel.7.cloned.1.call-start
scs
__scs_entry_jumppad:
0x0: {  	(pc) =	sbr.rel $0x88, $3  }
0x1: {  	(tag) =	ssettag $0x0;
	lr =	simm.s32 $0x1  }
0x2: {  	[smem:$0x3F97] =	sst lr;
	_ =	strace $0xD0000000  }
0x3: {  	_ = 	snop  }
0x4: {  	_ = 	snop  }
0x5: {  	_ = 	snop  }
0x6: {  	_ = 	snop  }
0x7: {  	_ = 	snop  }
__scs_overlays_trampoline_lowered:
0x8: {  	[smem:$0x3FA6] =	sst s0  }
0x9: {  	[smem:$0x3FA7] =	sst s1  }
0xa: {  	[smem:$0x3FA8] =	sst s2  }
0xb: {  	[smem:$0x3FA9] =	sst s3  }
0xc: {  	[smem:$0x3FAA] =	sst s4  }
0xd: {  	[smem:$0x3FAB] =	sst s5  }
0xe: {  	[smem:$0x3FAC] =	sst s6  }
0xf: {  	[smem:$0x3FAD] =	sst s7  }
0x10: {  	[smem:$0x3FAE] =	sst s8  }
0x11: {  	[smem:$0x3FAF] =	sst s9;
	s0 =	simm.s32 @!p0 $0x0  }
0x12: {  	s1 =	sld [smem:$0x3F95];
	s0 =	simm.s32 @p0 $0x1  }
0x13: {  	[smem:$0x3FB0] =	sst s0;
	s0 =	simm.s32 @!p1 $0x0  }
0x14: {  	s2 =	sld [smem:$0x3F94];
	s0 =	simm.s32 @p1 $0x1  }
0x15: {  	[smem:$0x3FB1] =	sst s0;
	s0 =	simm.s32 @!p2 $0x0  }
0x16: {  	s3 =	sld [smem:$0x3FDB];
	s0 =	simm.s32 @p2 $0x1  }
0x17: {  	s4 =	simm.s32 $0x1BF5;
	[smem:$0x3FB3] =	sst s0  }
0x18: {  	s0 =	sld [smem:$0x3F96];
	_ =	swait.ge [sflag:s4], $0x0  }
0x19: {  	s7 =	sld [smem:$0x3F97]  }
0x1a: {  	s8 =	sadd.s32 $0xFFFFE003, lr  }
0x1b: {  	s9 =	sadd.s32 $0xFFFFFEF7, lr;
	s5 =	simm.s32 $0xFFFFFFFF;
	p2 =	slt.u32 s8, $0xFFFFF086  }
0x1c: {  	p1 =	slt.u32 s9, $0xF7A;
	s5 =	simm.s32 @!p2 $0x0  }
0x1d: {  	s5 =	simm.s32 @p1 $0x1;
	p0 =	seq.s32 s7, s2  }
0x1e: {  	s7 =	smul.u32 @!p0 $0xF7A, s2;
	p2 =	seq.s32 @!p0 s5, $0x0  }
0x1f: {  	s9 =	smul.u32 $0xF7A, s1;
	s8 =	simm.s32 @!p0 $0x1BF5;
	p2 =	por !p2, p0  }
0x20: {  	[sflag:s8] =	ssyncset.s32 @!p0 $0xFFFFF086;
	s6 =	sadd.s32 @!p0 s3, s7;
	s7 =	simm.s32 @!p0 $0x108  }
0x21: {  	s3 =	sadd.s32 s3, s9;
	s6 =	sadd.s32 @!p0 $0x88, s6;
	s7 =	simm.s32 @p2 $0x1082  }
0x22: {  	[simem:s7], [sflag:s8] =	dma.local @!p0 [hbm:s6], $0xF7A  }
0x23: {  	s9 =	sor.u32 $0xD0000000, s2;
	s6 =	simm.s32 $0x108;
	_ =	swait.ge @!p0 [sflag:s8], $0x0  }
0x24: {  	s3 =	sadd.s32 $0x88, s3;
	s6 =	simm.s32 @!p1 $0x1082;
	[sflag:s4] =	ssyncset.s32 $0xFFFFF086  }
0x25: {  	[simem:s6], [sflag:s4] =	dma.local [hbm:s3], $0xF7A  }
0x26: {  	[smem:$0x3F97] =	sst s1;
	(tag) =	ssettag s2;
	_ =	strace s9  }
0x27: {  	s1 =	sld [smem:$0x3FA7]  }
0x28: {  	s2 =	sld [smem:$0x3FA8]  }
0x29: {  	s4 =	sld [smem:$0x3FAA]  }
0x2a: {  	p0 =	seq.s32 s5, $0x0;
	s5 =	sld [smem:$0x3FAB]  }
0x2b: {  	s6 =	sld [smem:$0x3FAC]  }
0x2c: {  	s7 =	sld [smem:$0x3FAD]  }
0x2d: {  	s3 =	simm.s32 $0x108;
	s8 =	sld [smem:$0x3FAE]  }
0x2e: {  	s3 =	simm.s32 @!p0 $0x1082;
	s9 =	sld [smem:$0x3FAF]  }
0x2f: {  	lr =	sadd.s32 s0, s3;
	s0 =	sld [smem:$0x3FA6]  }
0x30: {  	s3 =	sld [smem:$0x3FA9]  }
0x31: {  	[smem:$0x3FB2] =	sst s10  }
0x32: {  	s10 =	sld [smem:$0x3FB0];
	_ =	sdelay $0x3  }
0x33: {  	p0 =	seq.s32 s10, $0x1;
	s10 =	sld [smem:$0x3FB2];
	_ =	sdelay $0x3  }
0x34: {  	[smem:$0x3FB2] =	sst s10  }
0x35: {  	s10 =	sld [smem:$0x3FB1];
	_ =	sdelay $0x3  }
0x36: {  	p1 =	seq.s32 s10, $0x1;
	s10 =	sld [smem:$0x3FB2];
	_ =	sdelay $0x3  }
0x37: {  	[smem:$0x3FB2] =	sst s10  }
0x38: {  	s10 =	sld [smem:$0x3FB3]  }
0x39: {  	_ = 	snop;
	(pc) =	sbr.ind lr, $3  }
0x3a: {  	_ = 	snop  }
0x3b: {  	_ = 	snop  }
0x3c: {  	p2 =	seq.s32 s10, $0x1;
	s10 =	sld [smem:$0x3FB2]  }
0x3d: {  	_ =	shalt  }
0x3e: {  	_ =	shalt  }
0x3f: {  	_ =	shalt  }
0x40: {  	_ =	shalt  }
0x41: {  	_ =	shalt  }
0x42: {  	_ =	shalt  }
0x43: {  	_ =	shalt  }
0x44: {  	_ =	shalt  }
0x45: {  	_ =	shalt  }
0x46: {  	_ =	shalt  }
0x47: {  	_ =	shalt  }
0x48: {  	_ =	shalt  }
0x49: {  	_ =	shalt  }
0x4a: {  	_ =	shalt  }
0x4b: {  	_ =	shalt  }
0x4c: {  	_ =	shalt  }
0x4d: {  	_ =	shalt  }
0x4e: {  	_ =	shalt  }
0x4f: {  	_ =	shalt  }
0x50: {  	_ =	shalt  }
0x51: {  	_ =	shalt  }
0x52: {  	_ =	shalt  }
0x53: {  	_ =	shalt  }
0x54: {  	_ =	shalt  }
0x55: {  	_ =	shalt  }
0x56: {  	_ =	shalt  }
0x57: {  	_ =	shalt  }
0x58: {  	_ =	shalt  }
0x59: {  	_ =	shalt  }
0x5a: {  	_ =	shalt  }
0x5b: {  	_ =	shalt  }
0x5c: {  	_ =	shalt  }
0x5d: {  	_ =	shalt  }
0x5e: {  	_ =	shalt  }
0x5f: {  	_ =	shalt  }
0x60: {  	_ =	shalt  }
0x61: {  	_ =	shalt  }
0x62: {  	_ =	shalt  }
0x63: {  	_ =	shalt  }
0x64: {  	_ =	shalt  }
0x65: {  	_ =	shalt  }
0x66: {  	_ =	shalt  }
0x67: {  	_ =	shalt  }
0x68: {  	_ =	shalt  }
0x69: {  	_ =	shalt  }
0x6a: {  	_ =	shalt  }
0x6b: {  	_ =	shalt  }
0x6c: {  	_ =	shalt  }
0x6d: {  	_ =	shalt  }
0x6e: {  	_ =	shalt  }
0x6f: {  	_ =	shalt  }
0x70: {  	_ =	shalt  }
0x71: {  	_ =	shalt  }
0x72: {  	_ =	shalt  }
0x73: {  	_ =	shalt  }
0x74: {  	_ =	shalt  }
0x75: {  	_ =	shalt  }
0x76: {  	_ =	shalt  }
0x77: {  	_ =	shalt  }
0x78: {  	_ =	shalt  }
0x79: {  	_ =	shalt  }
0x7a: {  	_ =	shalt  }
0x7b: {  	_ =	shalt  }
0x7c: {  	_ =	shalt  }
0x7d: {  	_ =	shalt  }
0x7e: {  	_ =	shalt  }
0x7f: {  	_ =	shalt  }
0x80: {  	_ =	shalt  }
0x81: {  	_ =	shalt  }
0x82: {  	_ =	shalt  }
0x83: {  	_ =	shalt  }
0x84: {  	_ =	shalt  }
0x85: {  	_ =	shalt  }
0x86: {  	_ =	shalt  }
0x87: {  	_ =	shalt  }
.Lfunc_end0:
.L_simem_size_0:
called_computation_lowered:
.L_overlay_start_0:
0x88: {  	s2 =	sld [smem:$0x3FD9]  }
0x89: {  	s3 =	sld [smem:$0x3FFE];
	_ =	sdelay $0x1  }
0x8a: {  	s1 =	srdreg.scid  }
0x8b: {  	s0 =	sand.u32 $0x1, s1  }
0x8c: {  	s17 =	sshll.u32 s0, $0xA;
	s2 =	sadd.s32 s3, s2  }
0x8d: {  	s2 =	sadd.s32 s2, s17  }
0x8e: {  	[smem:$0x3FBE] =	sst s2  }
0x8f: {  	_ = 	snop  }
0x90: {  	s2 =	sld [smem:$0x3FD0];
	(tm) =	ssettm $0x1  }
0x91: {  	s18 =	sld [smem:$0x3FFB];
	_ =	sdelay $0x3  }
0x92: {  	_ =	strace s18  }
0x93: {  	s3 =	sld [smem:$0x3FFC];
	_ =	sdelay $0x3  }
0x94: {  	_ =	strace s3  }
0x95: {  	s3 =	sld [smem:$0x3FFD];
	_ =	sdelay $0x3  }
0x96: {  	_ =	strace s3  }
0x97: {  	_ =	strace $0x8FFFFFFF  }
0x98: {  	s19 =	sld [smem:$0x3FDB];
	_ =	sdelay $0x1  }
0x99: {  	s4 =	simm.s32 $_scs_section_size  }
0x9a: {  	s5 =	simm.s32 $_size__tile_overlayer_lowered;
	s6 =	simm.s32 $_tile_overlayer_lowered  }
0x9b: {  	s22 =	simm.s32 $0x1BFF;
	s21 =	sshll.u32 s6, $0x1;
	s3 =	sadd.s32 s4, s19  }
0x9c: {  	s7 =	simm.s32 $0x0;
	s20 =	sshll.u32 s5, $0x1;
	s5 =	sadd.s32 s21, s3  }
0x9d: {  	[timem:s7], [sflag:s22] =	dma.local [hbm:s5], s20  }
0x9e: {  	_ =	swait.ge [sflag:s22], s20  }
0x9f: {  	s4 =	ssub.s32 $0x0, s20;
	[sflag:s22] =	ssyncset.done $0x0  }
0xa0: {  	[sflag:s22] =	ssyncadd.s32 s4;
	_ =	sdelay $0x1  }
0xa1: {  	s23 =	simm.s32 $0x1B8B  }
0xa2: {  	_ =	swait.ge [sflag:s23], $0x1  }
0xa3: {  	[sflag:s23] =	ssyncset.done $0x0  }
0xa4: {  	s25 =	simm.s32 $0x1B8E;
	s24 =	sld [smem:$0x3FFE];
	[sflag:s23] =	ssyncadd.s32 $0xFFFFFFFF  }
0xa5: {  	s26 =	simm.s32 $execute0_lowered;
	[smem:$0x3FD2] =	sst s25  }
0xa6: {  	s5 =	sshll.u32 s26, $0x1;
	_ =	strace $0x80000046;
	[dreg:$0x1] =	wrdreg $0xFFFFFFFF  }
0xa7: {  	s28 =	simm.s32 $_size_execute0_lowered;
	s3 =	sadd.s32 s3, s5;
	[dreg:$0x0] =	wrdreg $0x0  }
0xa8: {  	s5 =	sshll.u32 s28, $0x1;
	[dreg:$0x2] =	wrdreg s3  }
0xa9: {  	[dreg:$0x3] =	wrdreg s5  }
0xaa: {  	[dreg:$0x4] =	wrdreg $0xC0  }
0xab: {  	_ =	task [dreg:s7], $0x5FFFF  }
0xac: {  	[dreg:$0x1] =	wrdreg $0xFFFFFFFF  }
0xad: {  	[dreg:$0x0] =	wrdreg $0x60  }
0xae: {  	[dreg:$0x2] =	wrdreg s24  }
0xaf: {  	[dreg:$0x3] =	wrdreg s2  }
0xb0: {  	[dreg:$0x4] =	wrdreg $0x9A100  }
0xb1: {  	[dreg:$0x5] =	wrdreg $0x9  }
0xb2: {  	_ =	task.clear_ibuf [dreg:s7], $0x6FFFF;
	_ =	strace $0x90000046  }
0xb3: {  	s29 =	simm.s32 $0x9;
	_ =	strace $0x80000048  }
0xb4: {  	_ =	swait.ge [sflag:s29], $0x1  }
0xb5: {  	[sflag:s29] =	ssyncadd.s32 $0xFFFFFFFF  }
0xb6: {  	_ =	strace $0x90000048  }
0xb7: {  	_ =	sfence  }
0xb8: {  	s30 =	sld [smem:$0x0];
	_ =	sdelay $0x2  }
0xb9: {  	s31 =	sshll.u32 s1, $0xD;
	s1 =	sshrl.u32 s1, $0x2  }
0xba: {  	s3 =	sand.u32 $0x4000, s31;
	s1 =	sadd.s32 s1, s30  }
0xbb: {  	s0 =	sor.u32 s3, s0;
	s1 =	sshll.u32 s1, $0x11  }
0xbc: {  	s0 =	sor.u32 s1, s0  }
0xbd: {  	s0 =	sadd.s32 $0x8F2B, s0  }
0xbe: {  	[sflag:s0] =	ssyncadd.remote.s32 $0x1  }
0xbf: {  	_ =	sfence.sel $0xFFFF  }
0xc0: {  	[dreg:$0x0] =	wrdreg $0xFFFFFFFF;
	(pc) =	sbr.abs _section_cstart, $3  }
0xc1: {  	[dreg:$0x1] =	wrdreg $0xFFFFFFFF  }
0xc2: {  	_ =	task.clear_ibuf [dreg:s7], $0x2FFFF;
	_ =	strace $0x9FFFFFFF  }
0xc3: {  	(tm) =	ssettm $0x7FFFFFFF  }
tec
execute0_lowered:
.L_overlay_start_1:
0x0: {  	(tag) =	ssettag $0x1  }
0x1: {  	s9 =	rddreg [dreg:$0x0]  }
0x2: {  	s1 =	rddreg [dreg:$0x1]  }
0x3: {  	s2 =	rddreg [dreg:$0x2];
	s3 =	simm.s32 $0x0;
	s7 =	srdreg.scid  }
0x4: {  	s4 =	stileid.u32;
	s20 =	simm.s32 $0x5900;
	s21 =	simm.s32 $0x80  }
0x5: {  	s22 =	simm.s32 $0x100;
	s23 =	simm.s32 $0x1;
	s24 =	simm.s32 $0x2  }
0x6: {  	s25 =	simm.s32 $0x3100;
	[smem:$0x7FF] =	sst s3;
	s5 =	sadd.s32 $0x1A00, s9  }
0x7: {  	s6 =	sadd.s32 $0x1800, s9;
	s10 =	sand.u32 $0x1, s7;
	s7 =	sadd.s32 $0x2DC00, s9  }
0x8: {  	s12 =	smul.u32 $0x30C00, s4;
	s8 =	sadd.s32 $0x1A200, s9;
	s15 =	sadd.s32 $0x41600, s9  }
0x9: {  	s13 =	smul.u32 $0xC300, s4;
	s31 =	sshll.u32 s4, $0x1;
	p0 =	sne.s32 s4, $0xF  }
0xa: {  	_ =	strace $0x80000047;
	s11 =	ssub.s32 $0x2, s10;
	s14 =	smul.u32 $0xC3500, s10  }
0xb: {  	s16 =	sor.u32 s10, s31;
	s29 =	sshrl.u32 s11, $0x1;
	s30 =	sshrl.u32 s12, $0x2  }
0xc: {  	s9 =	sadd.s32 s13, s2;
	s17 =	ssub.s32 s11, s29;
	s12 =	sadd.s32 s30, s2  }
0xd: {  	s18 =	sadd.s32 s13, s14;
	s13 =	sshll.u32 s16, $0x7;
	s19 =	sshrl.u32 s14, $0x3  }
0xe: {  	s16 =	ssub.s32 $0x13A7, s16;
	s10 =	sadd.s32 $0x4100, s12;
	s11 =	sadd.s32 $0x8200, s12  }
0xf: {  	v1 =	vlaneseq.u32;
	s12 =	sadd.s32 $0xC3000, s2;
	s18 =	sshrl.u32 s18, $0x3;
	s16 =	sshrl.u32 s16, $0x5  }
0x10: {  	v0 =	vimm.f32 $0.0e+00;
	v1 =	vshrl.u32 v1, $0x3;
	s17 =	smax.u32 s17, $0x1;
	s14 =	sadd.s32 s15, s18;
	s15 =	sadd.s32 s15, s19  }
0x11: {  	v2 =	vor.u32 $0x2, v1;
	v3 =	vor.u32 $0x4, v1;
	v4 =	vor.u32 $0x6, v1;
	s18 =	simm.s32 $0x5910;
	s19 =	simm.s32 $0x3;
	s15 =	sadd.s32 $0x18600, s15  }
.LBB2_1:
0x12: {  	s28 =	simm.s32 $0x140;
	s26 =	simm.s32 $0x0  }
.LBB2_2:
0x13: {  	p1 =	sne.s32 s28, $0x102C0;
	[tilespmem:s26+$0x5950] =	vst v0;
	s29 =	smov.u32 s28;
	s28 =	sadd.s32 $0x140, s28  }
.Ltmp0:
0x14: {  	[tilespmem:s26+$0x5940] =	vst v0;
	(pc) =	sbr.rel @p1 .LBB2_2-.Ltmp0, $4  }
0x15: {  	[tilespmem:s26+$0x5930] =	vst v0  }
0x16: {  	[tilespmem:s26+$0x5910] =	vst v0  }
0x17: {  	[tilespmem:s26+$0x5920] =	vst v0  }
0x18: {  	s26 =	sshra.s32 s29, $0x2  }
0x19: {  	[tilespmem:s26+$0x5950] =	vst v0  }
0x1a: {  	[tilespmem:s26+$0x5940] =	vst v0  }
0x1b: {  	[tilespmem:s26+$0x5930] =	vst v0  }
0x1c: {  	[tilespmem:s26+$0x5910] =	vst v0  }
0x1d: {  	[tilespmem:s26+$0x5920] =	vst v0  }
0x1e: {  	[spmem:s9] =	stream.linear.scatter [tilespmem:s18], [sflag:$0x3], $0x4100, $0x38;
	[tilespmem:$0x15D60] =	vst v63  }
0x1f: {  	_ =	swait.ge [sflag:s19], $0x4100  }
0x20: {  	[sflag:s19] =	ssyncset.done $0x0  }
0x21: {  	[sflag:s19] =	ssyncadd.s32 $0xFFFFBF00  }
0x22: {  	[spmem:s10] =	stream.linear.scatter [tilespmem:s18], [sflag:$0x3], $0x4100, $0x38;
	[tilespmem:$0x15D60] =	vst v63  }
0x23: {  	_ =	swait.ge [sflag:s19], $0x4100  }
0x24: {  	[sflag:s19] =	ssyncset.done $0x0  }
0x25: {  	[sflag:s19] =	ssyncadd.s32 $0xFFFFBF00  }
0x26: {  	[spmem:s11] =	stream.linear.scatter [tilespmem:s18], [sflag:$0x3], $0x4100, $0x38;
	[tilespmem:$0x15D60] =	vst v63  }
0x27: {  	_ =	swait.ge [sflag:s19], $0x4100  }
0x28: {  	[sflag:s19] =	ssyncset.done $0x0  }
0x29: {  	s26 =	simm.s32 @!p0 $0x5910;
	[sflag:s19] =	ssyncadd.s32 $0xFFFFBF00  }
0x2a: {  	[spmem:s12] =	stream.linear.scatter @!p0 [tilespmem:s26], [sflag:$0x3], $0x500, $0x38;
	[tilespmem:$0x15D60] =	vst v63  }
0x2b: {  	s26 =	simm.s32 @!p0 $0x3  }
0x2c: {  	_ =	swait.ge @!p0 [sflag:s26], $0x500  }
0x2d: {  	[sflag:s26] =	ssyncset.done @!p0 $0x0  }
0x2e: {  	[sflag:s26] =	ssyncadd.s32 @!p0 $0xFFFFFB00;
	s26 =	simm.s32 $0x0  }
0x2f: {  	[tilespmem:s20], [sflag:$0x3] =	stream.linear.gather [hbm4b:s6+s26], $0x10, $0x38;
	[tilespmem:$0x15D60] =	vst v63  }
0x30: {  	_ =	swait.ge [sflag:s19], $0x10  }
0x31: {  	[sflag:s19] =	ssyncset.done $0x0  }
0x32: {  	[sflag:s19] =	ssyncadd.s32 $0xFFFFFFF0  }
0x33: {  	[bflag:$0x0] =	sbarrier.arrive $0xFFFF  }
0x34: {  	s28 =	simm.s32 $0x0;
	v5 =	vld [tilespmem:$0x5900]  }
.LBB2_4:
0x35: {  	s29 =	sshll.u32 s28, $0xC  }
0x36: {  	s29 =	sor.u32 s13, s29  }
0x37: {  	s29 =	sshrl.u32 s29, $0x3  }
0x38: {  	s30 =	sadd.s32 s7, s29  }
0x39: {  	[tilespmem:s26], [sflag:$0x3] =	stream.linear.gather [hbm4b:s30+s26], $0x80, $0x38;
	[tilespmem:$0x15D60] =	vst v63  }
0x3a: {  	_ =	swait.ge [sflag:s19], $0x80  }
0x3b: {  	[sflag:s19] =	ssyncset.done $0x0  }
0x3c: {  	s29 =	sadd.s32 s8, s29;
	[sflag:s19] =	ssyncadd.s32 $0xFFFFFF80  }
0x3d: {  	[tilespmem:s21], [sflag:$0x3] =	stream.linear.gather [hbm4b:s29+s26], $0x80, $0x38;
	[tilespmem:$0x15D60] =	vst v63  }
0x3e: {  	_ =	swait.ge [sflag:s19], $0x80  }
0x3f: {  	[sflag:s19] =	ssyncset.done $0x0  }
0x40: {  	[sflag:s19] =	ssyncadd.s32 $0xFFFFFF80  }
0x41: {  	[tilespmem:s22], [sflag:$0x1] =	stream.indirect.gather [hbm4b:s5+s21], $0x50, s26, s21, $0xb8;
	[tilespmem:$0x15D60] =	vst v63  }
0x42: {  	s30 =	simm.s32 $0x2900  }
0x43: {  	[tilespmem:s30], [sflag:$0x2] =	stream.indirect.gather [hbm4b:s1+s21], $0x10, s21, s21, $0xb8;
	[tilespmem:$0x15D60] =	vst v63  }
0x44: {  	_ =	swait.ge [sflag:s23], $0x2800  }
0x45: {  	[sflag:s23] =	ssyncset.done $0x0  }
0x46: {  	[sflag:s23] =	ssyncadd.s32 $0xFFFFD800  }
0x47: {  	_ =	swait.ge [sflag:s24], $0x800  }
0x48: {  	[sflag:s24] =	ssyncset.done $0x0  }
0x49: {  	s29 =	simm.s32 $0x0;
	[sflag:s24] =	ssyncadd.s32 $0xFFFFF800  }
0x4a: {  	s31 =	simm.s32 $0x140;
	v6 =	vld [tilespmem:s29+$0x100]  }
.LBB2_5:
0x4b: {  	p1 =	sne.s32 s31, $0x9EC0;
	v7 =	vld [tilespmem:s30+$0x0];
	_ =	sdelay $0x4  }
0x4c: {  	v6 =	vadd.f32 v7, v6;
	_ =	sdelay $0x1  }
0x4d: {  	v7 =	vmul.f32 $2.000000030e-01, v6;
	_ =	sdelay $0x1  }
0x4e: {  	v6 =	vmax.f32 v6, v7  }
0x4f: {  	v6 =	vsub.f32 v6, v5;
	_ =	sdelay $0x1  }
0x50: {  	v6 =	vmul.f32 $1.442695020e+00, v6;
	_ =	sdelay $0x1  }
0x51: {  	(erf) = vpow2.f32 v6;
	_ =	sdelay $0x4  }
0x52: {  	v6 =	vld [tilespmem:s29+$0x110]  }
0x53: {  	v7 =	vld [tilespmem:s29+$0x120]  }
0x54: {  	v8 =	vld [tilespmem:s29+$0x130]  }
0x55: {  	v9 =	vld [tilespmem:s29+$0x140]  }
0x56: {  	v10 =	vpop (erf)  }
0x57: {  	[tilespmem:s29+$0x3100] =	vst v10;
	v11 =	vperm.xlane v10, v1;
	v12 =	vperm.xlane v10, v2  }
0x58: {  	v13 =	vperm.xlane v10, v3;
	v10 =	vperm.xlane v10, v4  }
0x59: {  	v6 =	vmul.f32 v11, v6;
	v7 =	vmul.f32 v12, v7  }
.Ltmp1:
0x5a: {  	v8 =	vmul.f32 v13, v8;
	v9 =	vmul.f32 v10, v9;
	(pc) =	sbr.rel @p1 .LBB2_5-.Ltmp1, $4  }
0x5b: {  	[tilespmem:s29+$0x3110] =	vst v6  }
0x5c: {  	[tilespmem:s29+$0x3120] =	vst v7  }
0x5d: {  	s0 =	sshra.s32 s31, $0x2;
	[tilespmem:s29+$0x3130] =	vst v8  }
0x5e: {  	s31 =	sadd.s32 $0x140, s31;
	s30 =	sadd.s32 $0x10, s30;
	v6 =	vld [tilespmem:s0+$0x100];
	[tilespmem:s29+$0x3140] =	vst v9;
	s29 =	smov.u32 s0  }
0x5f: {  	v7 =	vld [tilespmem:s30+$0x0];
	_ =	sdelay $0x4  }
0x60: {  	v6 =	vadd.f32 v7, v6;
	_ =	sdelay $0x1  }
0x61: {  	v7 =	vmul.f32 $2.000000030e-01, v6;
	_ =	sdelay $0x1  }
0x62: {  	v6 =	vmax.f32 v6, v7  }
0x63: {  	v6 =	vsub.f32 v6, v5;
	_ =	sdelay $0x1  }
0x64: {  	v6 =	vmul.f32 $1.442695020e+00, v6;
	_ =	sdelay $0x1  }
0x65: {  	(erf) = vpow2.f32 v6;
	_ =	sdelay $0x6  }
0x66: {  	v6 =	vld [tilespmem:s29+$0x110]  }
0x67: {  	v7 =	vld [tilespmem:s29+$0x120]  }
0x68: {  	v8 =	vld [tilespmem:s29+$0x130];
	v9 =	vpop (erf)  }
0x69: {  	v10 =	vld [tilespmem:s29+$0x140];
	v11 =	vperm.xlane v9, v1  }
0x6a: {  	v12 =	vperm.xlane v9, v2  }
0x6b: {  	v13 =	vperm.xlane v9, v3;
	v6 =	vmul.f32 v11, v6  }
0x6c: {  	[tilespmem:s29+$0x3100] =	vst v9;
	v9 =	vperm.xlane v9, v4;
	v7 =	vmul.f32 v12, v7  }
0x6d: {  	v8 =	vmul.f32 v13, v8;
	[tilespmem:s29+$0x3110] =	vst v6  }
0x6e: {  	s28 =	sadd.s32 $0x1, s28;
	v6 =	vmul.f32 v9, v10;
	[tilespmem:s29+$0x3120] =	vst v7  }
0x6f: {  	p1 =	sne.s32 s28, s16;
	[tilespmem:s29+$0x3130] =	vst v8  }
.Ltmp2:
0x70: {  	[tilespmem:s29+$0x3140] =	vst v6;
	(pc) =	sbr.rel @p1 .LBB2_4-.Ltmp2, $4  }
0x71: {  	[spmem:s2] =	stream.indirect.scatter.add.f32 [tilespmem:s25], [sflag:$0x3], $0x50, s21, s21, $0xb8;
	[tilespmem:$0x15D60] =	vst v63  }
0x72: {  	_ =	swait.ge [sflag:s19], $0x2800  }
0x73: {  	[sflag:s19] =	ssyncset.done $0x0  }
0x74: {  	[sflag:s19] =	ssyncadd.s32 $0xFFFFD800  }
0x75: {  	s0 =	sshll.u32 s4, $0x6  }
0x76: {  	[bflag:$0x0] =	sbarrier.arrive $0xFFFF;
	s26 =	sshrl.u32 s9, $0x3;
	s0 =	sor.u32 $0x1C03, s0  }
0x77: {  	[hbm:s14], [sflag:s0] =	dma.local [spmem:s26], $0x1860  }
0x78: {  	_ =	swait.ge [sflag:s19], $0x1860  }
0x79: {  	s3 =	sadd.s32 $0x1, s3;
	[sflag:s19] =	ssyncset.done $0x0  }
0x7a: {  	p1 =	sne.s32 s3, s17;
	s26 =	sshrl.u32 @!p0 s12, $0x3;
	[sflag:s19] =	ssyncadd.s32 $0xFFFFE7A0  }
0x7b: {  	[hbm:s15], [sflag:s0] =	dma.local @!p0 [spmem:s26], $0xA0  }
.Ltmp3:
0x7c: {  	_ = 	snop;
	(pc) =	sbr.rel @p1 .LBB2_1-.Ltmp3, $4  }
0x7d: {  	s0 =	simm.s32 @!p0 $0x3  }
0x7e: {  	_ =	swait.ge @!p0 [sflag:s0], $0xA0  }
0x7f: {  	[sflag:s0] =	ssyncset.done @!p0 $0x0  }
0x80: {  	[sflag:s0] =	ssyncadd.s32 @!p0 $0xFFFFFF60  }
0x81: {  	_ =	sfence.sel $0x180000  }
0x82: {  	[bflag:$0x0] =	sbarrier.arrive $0xFFFF  }
0x83: {  	_ =	strace $0x90000047  }
0x84: {  	[bflag:$0x2] =	sbarrier.arrive $0xFFFF  }
0x85: {  	p0 =	sne.s32 s4, $0x0;
	s0 =	rddreg [dreg:$0x3]  }
0x86: {  	s0 =	sadd.s32 @!p0 $0x100000, s0  }
0x87: {  	[sflag:s0] =	ssyncadd.tile.s32 @!p0 $0x1;
	_ =	shalt  }
.Lfunc_end2:
_tile_overlayer_lowered:
.L_overlay_start_2:
0x88: {  	(tag) =	ssettag $0x2  }
0x89: {  	s0 =	rddreg [dreg:$0x0];
	s2 =	stileid.u32  }
0x8a: {  	s1 =	rddreg [dreg:$0x1];
	p0 =	sne.s32 s2, $0x0  }
0x8b: {  	s3 =	rddreg [dreg:$0x2];
	[bflag:$0x3] =	sbarrier.arrive $0xFFFF;
	s2 =	simm.s32 @!p0 $0x1C03  }
0x8c: {  	[timem:s3], [sflag:s2] =	dma.local @!p0 [hbm:s0], s1  }
0x8d: {  	s0 =	simm.s32 @!p0 $0x3  }
0x8e: {  	_ =	swait.ge @!p0 [sflag:s0], s1  }
0x8f: {  	s1 =	ssub.s32 @!p0 $0x0, s1;
	[sflag:s0] =	ssyncset.done @!p0 $0x0  }
0x90: {  	[sflag:s0] =	ssyncadd.s32 @!p0 s1  }
0x91: {  	[bflag:$0x3] =	sbarrier.arrive $0xFFFF  }
0x92: {  	_ =	shalt  }

</sc_bundles>
